<compile_context>
chip_gen: v7x
topology: tpu7x:2x2x1
jax: 0.10.2.dev20260603
libtpu: 0.0.44.dev20260713+nightly
codegen_flags: <defaults>
</compile_context>

<pallas_src>
import functools
import jax
import jax.numpy as jnp
from jax import lax
from jax.experimental import pallas as pl
from jax.experimental.pallas import tpu as pltpu
from jax.experimental.pallas import tpu_sc as plsc

B, S, D = 4, 8192, 768
N = B * S
NC, NS, LANES = 2, 16, 16
NW = NC * NS
ROWS_PER_TILE = N // NW
CHUNK = 16
NCH = ROWS_PER_TILE // CHUNK
NB = 4
PD = NB - 1
KB = 8


def _sc_body(x_hbm, idx_hbm, w_hbm, o_hbm, idx_v,
             g0, g1, g2, g3, xb0, xb1, xb2, xb3,
             gsems, xsems, osems):
    gat = (g0, g1, g2, g3)
    xbs = (xb0, xb1, xb2, xb3)
    wid = lax.axis_index("s") * NC + lax.axis_index("c")
    base = wid * ROWS_PER_TILE
    pltpu.sync_copy(idx_hbm.at[pl.ds(base, ROWS_PER_TILE)], idx_v)

    def g_copy(c, s):
        return pltpu.make_async_copy(
            w_hbm.at[idx_v.at[pl.ds(c * CHUNK, CHUNK)]], gat[s], gsems.at[s])

    def x_copy(c, s):
        return pltpu.make_async_copy(
            x_hbm.at[pl.ds(base + c * CHUNK, CHUNK)], xbs[s], xsems.at[s])

    def o_copy(c, s):
        return pltpu.make_async_copy(
            xbs[s], o_hbm.at[pl.ds(base + c * CHUNK, CHUNK)], osems.at[s])

    for s in range(PD):
        g_copy(s, s).start()
        x_copy(s, s).start()

    @pl.loop(0, NCH, step=NB)
    def _(c0):
        for b in range(NB):
            c = c0 + b
            s_next = (b + PD) % NB

            @pl.when(c + PD < NCH)
            def _():
                g_copy(c + PD, s_next).start()

            g_copy(c, b).wait()
            x_copy(c, b).wait()

            @pl.loop(0, CHUNK)
            def _(r):
                @pl.loop(0, D, step=LANES * KB)
                def _(j):
                    vals = [gat[b][r, pl.ds(j + k * LANES, LANES)]
                            for k in range(KB)]
                    for k in range(KB):
                        plsc.addupdate(xbs[b].at[r, pl.ds(j + k * LANES,
                                                          LANES)], vals[k])

            o_copy(c, b).start()

            @pl.when(c + PD < NCH)
            def _():
                @pl.when(c >= 1)
                def _():
                    o_copy(c - 1, s_next).wait()
                x_copy(c + PD, s_next).start()

    for t in range(PD + 1):
        cc = NCH - 1 - t
        o_copy(cc, cc % NB).wait()


@jax.jit
def _lookup_add(x2, idx, weight):
    buf = pltpu.VMEM((CHUNK, D), jnp.float32)
    kern = pl.kernel(
        _sc_body,
        out_type=jax.ShapeDtypeStruct((N, D), jnp.float32),
        mesh=plsc.VectorSubcoreMesh(core_axis_name="c", subcore_axis_name="s"),
        scratch_types=[
            pltpu.VMEM((ROWS_PER_TILE,), jnp.int32),
            buf, buf, buf, buf,
            buf, buf, buf, buf,
            pltpu.SemaphoreType.DMA((NB,)),
            pltpu.SemaphoreType.DMA((NB,)),
            pltpu.SemaphoreType.DMA((NB,)),
        ],
    )
    return kern(x2, idx, weight)


def kernel(x, index, weight):
    x2 = x.reshape(N, D)
    idx = index.reshape(N)
    out = _lookup_add(x2, idx, weight)
    return out.reshape(B, S, D)

# --- scband reference (transcript-rebuilt; emitter-appended) ---
"""Pipeline reference for scband-learned-positional-embedding-83726092468300 (READ-ONLY COPY).

The authoritative reference and input builder live on the scoring server;
editing this copy changes nothing except your own understanding.
"""

import jax, jax.numpy as jnp
import numpy as np


def setup_inputs(seed: int = 0) -> dict:
    key = jax.random.key(seed)
    k1, k2, k3 = jax.random.split(key, 3)
    x = jax.random.normal(k1, (4, 8192, 768), dtype=jnp.float32)
    index = jax.random.randint(k2, (4, 8192), 0, 8192, dtype=jnp.int32)
    weight = jax.random.normal(k3, (8192, 768), dtype=jnp.float32)
    return {"x": x, "index": index, "weight": weight}


def reference(x, index, weight):
    # Faithful translation of LearnedPositionalEmbedding.forward with index provided:
    # x = x + self.weight[index]
    pos = jnp.take(weight, index, axis=0)  # gather -> [B, S, D]
    return x + pos

if __name__ == "__main__":
    import jax
    _d = setup_inputs()
    print(jax.jit(kernel)(*tuple(_d.values())))

</pallas_src>

<mosaic_0001>
#map = affine_map<(d0, d1) -> (0, 0)>
#map1 = affine_map<(d0, d1) -> (0)>
module attributes {stable_mosaic.version = 14 : i64} {
  func.func @_sc_body(%arg0: i32, %arg1: i32, %arg2: memref<32768x768xf32, #tpu.memory_space<hbm>>, %arg3: memref<32768xi32, #tpu.memory_space<hbm>>, %arg4: memref<8192x768xf32, #tpu.memory_space<hbm>>, %arg5: memref<32768x768xf32, #tpu.memory_space<hbm>>, %arg6: memref<1024xi32, #tpu.memory_space<vmem>>, %arg7: memref<16x768xf32, #tpu.memory_space<vmem>>, %arg8: memref<16x768xf32, #tpu.memory_space<vmem>>, %arg9: memref<16x768xf32, #tpu.memory_space<vmem>>, %arg10: memref<16x768xf32, #tpu.memory_space<vmem>>, %arg11: memref<16x768xf32, #tpu.memory_space<vmem>>, %arg12: memref<16x768xf32, #tpu.memory_space<vmem>>, %arg13: memref<16x768xf32, #tpu.memory_space<vmem>>, %arg14: memref<16x768xf32, #tpu.memory_space<vmem>>, %arg15: memref<4x!tpu.dma_semaphore, #tpu.memory_space<semaphore_mem>>, %arg16: memref<4x!tpu.dma_semaphore, #tpu.memory_space<semaphore_mem>>, %arg17: memref<4x!tpu.dma_semaphore, #tpu.memory_space<semaphore_mem>>) attributes {dimension_semantics = [#tpu.dimension_semantics<core_parallel>, #tpu.dimension_semantics<subcore_parallel>], iteration_bounds = array<i64: 2, 16>, scalar_prefetch = 0 : i64, scratch_operands = 12 : i64, tpu.core_type = #tpu.core_type<sc_vector_subcore>, window_params = [{transform_indices = #map}, {transform_indices = #map1}, {transform_indices = #map}, {transform_indices = #map}]} {
    %mul3A = arith.constant 2 : i32
    %mul3A_0 = arith.muli %arg1, %mul3A : i32
    %add3A = arith.addi %mul3A_0, %arg0 : i32
    %mul3A_1 = arith.constant 1024 : i32
    %mul3A_2 = arith.muli %add3A, %mul3A_1 : i32
    "tpu.region"() ({
      %run_scoped3A = tpu.sem_alloc : memref<!tpu.dma_semaphore, #tpu.memory_space<semaphore_mem>>
      %dma_start3A_92 = tpu.memref_slice %arg3[%mul3A_2] : memref<32768xi32, #tpu.memory_space<hbm>> -> memref<1024xi32, #tpu.memory_space<hbm>>
      %dma_start3A_93 = tpu.memref_slice %arg3[%mul3A_2] : memref<32768xi32, #tpu.memory_space<hbm>> -> memref<1024xi32, #tpu.memory_space<hbm>>
      tpu.enqueue_dma source(%dma_start3A_93 : memref<1024xi32, #tpu.memory_space<hbm>>) target(%arg6 : memref<1024xi32, #tpu.memory_space<vmem>>) target_semaphore(%run_scoped3A : memref<!tpu.dma_semaphore, #tpu.memory_space<semaphore_mem>>)
      %dma_wait3A_94 = tpu.memref_slice %arg3[%mul3A_2] : memref<32768xi32, #tpu.memory_space<hbm>> -> memref<1024xi32, #tpu.memory_space<hbm>>
      %dma_wait3A_95 = tpu.memref_slice %arg3[%mul3A_2] : memref<32768xi32, #tpu.memory_space<hbm>> -> memref<1024xi32, #tpu.memory_space<hbm>>
      tpu.wait_dma2 semaphore(%run_scoped3A : memref<!tpu.dma_semaphore, #tpu.memory_space<semaphore_mem>>) src(%dma_wait3A_95 : memref<1024xi32, #tpu.memory_space<hbm>>) dst(%arg6 : memref<1024xi32, #tpu.memory_space<vmem>>)
      tpu.yield
    }) : () -> ()
    %dma_start3A = arith.constant 0 : i32
    %dma_start3A_3 = arith.constant 0 : i32
    %dma_start3A_4 = tpu.memref_slice %arg6[%dma_start3A_3] : memref<1024xi32, #tpu.memory_space<vmem>> -> memref<16xi32, #tpu.memory_space<vmem>>
    %dma_start3A_5 = arith.constant 0 : i32
    %dma_start3A_6 = arith.constant 0 : i32
    %dma_start3A_7 = tpu.memref_slice %arg4[%dma_start3A_5, %dma_start3A_6] : memref<8192x768xf32, #tpu.memory_space<hbm>> -> memref<8192x768xf32, #tpu.memory_space<hbm>>
    %dma_start3A_8 = tpu.memref_slice %arg15[%dma_start3A] : memref<4x!tpu.dma_semaphore, #tpu.memory_space<semaphore_mem>> -> memref<1x!tpu.dma_semaphore, #tpu.memory_space<semaphore_mem>>
    %dma_start3A_9 = tpu.memref_squeeze %dma_start3A_8 : memref<1x!tpu.dma_semaphore, #tpu.memory_space<semaphore_mem>> -> memref<!tpu.dma_semaphore, #tpu.memory_space<semaphore_mem>>
    tpu.enqueue_indirect_dma source(%dma_start3A_7 : memref<8192x768xf32, #tpu.memory_space<hbm>>) target(%arg7 : memref<16x768xf32, #tpu.memory_space<vmem>>) offsets(%dma_start3A_4 : memref<16xi32, #tpu.memory_space<vmem>>) semaphore(%dma_start3A_9 : memref<!tpu.dma_semaphore, #tpu.memory_space<semaphore_mem>>)
    %add3A_10 = arith.constant 0 : i32
    %add3A_11 = arith.addi %mul3A_2, %add3A_10 : i32
    %dma_start3A_12 = arith.constant 0 : i32
    %dma_start3A_13 = arith.constant 0 : i32
    %dma_start3A_14 = tpu.memref_slice %arg2[%add3A_11, %dma_start3A_13] : memref<32768x768xf32, #tpu.memory_space<hbm>> -> memref<16x768xf32, #tpu.memory_space<hbm>>
    %dma_start3A_15 = tpu.memref_slice %arg16[%dma_start3A_12] : memref<4x!tpu.dma_semaphore, #tpu.memory_space<semaphore_mem>> -> memref<1x!tpu.dma_semaphore, #tpu.memory_space<semaphore_mem>>
    %dma_start3A_16 = tpu.memref_squeeze %dma_start3A_15 : memref<1x!tpu.dma_semaphore, #tpu.memory_space<semaphore_mem>> -> memref<!tpu.dma_semaphore, #tpu.memory_space<semaphore_mem>>
    %dma_start3A_17 = arith.constant 0 : i32
    %dma_start3A_18 = tpu.memref_slice %arg2[%add3A_11, %dma_start3A_17] : memref<32768x768xf32, #tpu.memory_space<hbm>> -> memref<16x768xf32, #tpu.memory_space<hbm>>
    tpu.enqueue_dma source(%dma_start3A_18 : memref<16x768xf32, #tpu.memory_space<hbm>>) target(%arg11 : memref<16x768xf32, #tpu.memory_space<vmem>>) target_semaphore(%dma_start3A_16 : memref<!tpu.dma_semaphore, #tpu.memory_space<semaphore_mem>>)
    %dma_start3A_19 = arith.constant 1 : i32
    %dma_start3A_20 = arith.constant 16 : i32
    %dma_start3A_21 = tpu.memref_slice %arg6[%dma_start3A_20] : memref<1024xi32, #tpu.memory_space<vmem>> -> memref<16xi32, #tpu.memory_space<vmem>>
    %dma_start3A_22 = arith.constant 0 : i32
    %dma_start3A_23 = arith.constant 0 : i32
    %dma_start3A_24 = tpu.memref_slice %arg4[%dma_start3A_22, %dma_start3A_23] : memref<8192x768xf32, #tpu.memory_space<hbm>> -> memref<8192x768xf32, #tpu.memory_space<hbm>>
    %dma_start3A_25 = tpu.memref_slice %arg15[%dma_start3A_19] : memref<4x!tpu.dma_semaphore, #tpu.memory_space<semaphore_mem>> -> memref<1x!tpu.dma_semaphore, #tpu.memory_space<semaphore_mem>>
    %dma_start3A_26 = tpu.memref_squeeze %dma_start3A_25 : memref<1x!tpu.dma_semaphore, #tpu.memory_space<semaphore_mem>> -> memref<!tpu.dma_semaphore, #tpu.memory_space<semaphore_mem>>
    tpu.enqueue_indirect_dma source(%dma_start3A_24 : memref<8192x768xf32, #tpu.memory_space<hbm>>) target(%arg8 : memref<16x768xf32, #tpu.memory_space<vmem>>) offsets(%dma_start3A_21 : memref<16xi32, #tpu.memory_space<vmem>>) semaphore(%dma_start3A_26 : memref<!tpu.dma_semaphore, #tpu.memory_space<semaphore_mem>>)
    %add3A_27 = arith.constant 16 : i32
    %add3A_28 = arith.addi %mul3A_2, %add3A_27 : i32
    %dma_start3A_29 = arith.constant 1 : i32
    %dma_start3A_30 = arith.constant 0 : i32
    %dma_start3A_31 = tpu.memref_slice %arg2[%add3A_28, %dma_start3A_30] : memref<32768x768xf32, #tpu.memory_space<hbm>> -> memref<16x768xf32, #tpu.memory_space<hbm>>
    %dma_start3A_32 = tpu.memref_slice %arg16[%dma_start3A_29] : memref<4x!tpu.dma_semaphore, #tpu.memory_space<semaphore_mem>> -> memref<1x!tpu.dma_semaphore, #tpu.memory_space<semaphore_mem>>
    %dma_start3A_33 = tpu.memref_squeeze %dma_start3A_32 : memref<1x!tpu.dma_semaphore, #tpu.memory_space<semaphore_mem>> -> memref<!tpu.dma_semaphore, #tpu.memory_space<semaphore_mem>>
    %dma_start3A_34 = arith.constant 0 : i32
    %dma_start3A_35 = tpu.memref_slice %arg2[%add3A_28, %dma_start3A_34] : memref<32768x768xf32, #tpu.memory_space<hbm>> -> memref<16x768xf32, #tpu.memory_space<hbm>>
    tpu.enqueue_dma source(%dma_start3A_35 : memref<16x768xf32, #tpu.memory_space<hbm>>) target(%arg12 : memref<16x768xf32, #tpu.memory_space<vmem>>) target_semaphore(%dma_start3A_33 : memref<!tpu.dma_semaphore, #tpu.memory_space<semaphore_mem>>)
    %dma_start3A_36 = arith.constant 2 : i32
    %dma_start3A_37 = arith.constant 32 : i32
    %dma_start3A_38 = tpu.memref_slice %arg6[%dma_start3A_37] : memref<1024xi32, #tpu.memory_space<vmem>> -> memref<16xi32, #tpu.memory_space<vmem>>
    %dma_start3A_39 = arith.constant 0 : i32
    %dma_start3A_40 = arith.constant 0 : i32
    %dma_start3A_41 = tpu.memref_slice %arg4[%dma_start3A_39, %dma_start3A_40] : memref<8192x768xf32, #tpu.memory_space<hbm>> -> memref<8192x768xf32, #tpu.memory_space<hbm>>
    %dma_start3A_42 = tpu.memref_slice %arg15[%dma_start3A_36] : memref<4x!tpu.dma_semaphore, #tpu.memory_space<semaphore_mem>> -> memref<1x!tpu.dma_semaphore, #tpu.memory_space<semaphore_mem>>
    %dma_start3A_43 = tpu.memref_squeeze %dma_start3A_42 : memref<1x!tpu.dma_semaphore, #tpu.memory_space<semaphore_mem>> -> memref<!tpu.dma_semaphore, #tpu.memory_space<semaphore_mem>>
    tpu.enqueue_indirect_dma source(%dma_start3A_41 : memref<8192x768xf32, #tpu.memory_space<hbm>>) target(%arg9 : memref<16x768xf32, #tpu.memory_space<vmem>>) offsets(%dma_start3A_38 : memref<16xi32, #tpu.memory_space<vmem>>) semaphore(%dma_start3A_43 : memref<!tpu.dma_semaphore, #tpu.memory_space<semaphore_mem>>)
    %add3A_44 = arith.constant 32 : i32
    %add3A_45 = arith.addi %mul3A_2, %add3A_44 : i32
    %dma_start3A_46 = arith.constant 2 : i32
    %dma_start3A_47 = arith.constant 0 : i32
    %dma_start3A_48 = tpu.memref_slice %arg2[%add3A_45, %dma_start3A_47] : memref<32768x768xf32, #tpu.memory_space<hbm>> -> memref<16x768xf32, #tpu.memory_space<hbm>>
    %dma_start3A_49 = tpu.memref_slice %arg16[%dma_start3A_46] : memref<4x!tpu.dma_semaphore, #tpu.memory_space<semaphore_mem>> -> memref<1x!tpu.dma_semaphore, #tpu.memory_space<semaphore_mem>>
    %dma_start3A_50 = tpu.memref_squeeze %dma_start3A_49 : memref<1x!tpu.dma_semaphore, #tpu.memory_space<semaphore_mem>> -> memref<!tpu.dma_semaphore, #tpu.memory_space<semaphore_mem>>
    %dma_start3A_51 = arith.constant 0 : i32
    %dma_start3A_52 = tpu.memref_slice %arg2[%add3A_45, %dma_start3A_51] : memref<32768x768xf32, #tpu.memory_space<hbm>> -> memref<16x768xf32, #tpu.memory_space<hbm>>
    tpu.enqueue_dma source(%dma_start3A_52 : memref<16x768xf32, #tpu.memory_space<hbm>>) target(%arg13 : memref<16x768xf32, #tpu.memory_space<vmem>>) target_semaphore(%dma_start3A_50 : memref<!tpu.dma_semaphore, #tpu.memory_space<semaphore_mem>>)
    %scan3A = arith.constant 0 : i32
    %scan3A_53 = arith.constant 16 : i32
    %scan3A_54 = arith.addi %scan3A, %scan3A_53 : i32
    %scan3A_55 = arith.constant 1 : i32
    scf.for %scan3A_92 = %scan3A to %scan3A_54 step %scan3A_55  : i32 {
      %mul3A_93 = arith.constant 4 : i32
      %mul3A_94 = arith.muli %scan3A_92, %mul3A_93 : i32
      %add3A_95 = arith.constant 0 : i32
      %add3A_96 = arith.addi %add3A_95, %mul3A_94 : i32
      %add3A_97 = arith.constant 0 : i32
      %add3A_98 = arith.addi %add3A_96, %add3A_97 : i32
      %add3A_99 = arith.constant 3 : i32
      %add3A_100 = arith.addi %add3A_98, %add3A_99 : i32
      %lt3A = arith.constant 64 : i32
      %lt3A_101 = arith.cmpi slt, %add3A_100, %lt3A : i32
      %convert_element_type3A = arith.extui %lt3A_101 : i1 to i32
      %cond3A = arith.constant 0 : i32
      %cond3A_102 = arith.cmpi ne, %convert_element_type3A, %cond3A : i32
      scf.if %cond3A_102 {
        %add3A_294 = arith.constant 3 : i32
        %add3A_295 = arith.addi %add3A_98, %add3A_294 : i32
        %mul3A_296 = arith.constant 16 : i32
        %mul3A_297 = arith.muli %add3A_295, %mul3A_296 : i32
        %dma_start3A_298 = arith.constant 3 : i32
        %dma_start3A_299 = tpu.memref_slice %arg6[%mul3A_297] : memref<1024xi32, #tpu.memory_space<vmem>> -> memref<16xi32, #tpu.memory_space<vmem>>
        %dma_start3A_300 = arith.constant 0 : i32
        %dma_start3A_301 = arith.constant 0 : i32
        %dma_start3A_302 = tpu.memref_slice %arg4[%dma_start3A_300, %dma_start3A_301] : memref<8192x768xf32, #tpu.memory_space<hbm>> -> memref<8192x768xf32, #tpu.memory_space<hbm>>
        %dma_start3A_303 = tpu.memref_slice %arg15[%dma_start3A_298] : memref<4x!tpu.dma_semaphore, #tpu.memory_space<semaphore_mem>> -> memref<1x!tpu.dma_semaphore, #tpu.memory_space<semaphore_mem>>
        %dma_start3A_304 = tpu.memref_squeeze %dma_start3A_303 : memref<1x!tpu.dma_semaphore, #tpu.memory_space<semaphore_mem>> -> memref<!tpu.dma_semaphore, #tpu.memory_space<semaphore_mem>>
        tpu.enqueue_indirect_dma source(%dma_start3A_302 : memref<8192x768xf32, #tpu.memory_space<hbm>>) target(%arg10 : memref<16x768xf32, #tpu.memory_space<vmem>>) offsets(%dma_start3A_299 : memref<16xi32, #tpu.memory_space<vmem>>) semaphore(%dma_start3A_304 : memref<!tpu.dma_semaphore, #tpu.memory_space<semaphore_mem>>)
      } else {
      }
      %mul3A_103 = arith.constant 16 : i32
      %mul3A_104 = arith.muli %add3A_98, %mul3A_103 : i32
      %dma_wait3A_105 = arith.constant 0 : i32
      %dma_wait3A_106 = tpu.memref_slice %arg6[%mul3A_104] : memref<1024xi32, #tpu.memory_space<vmem>> -> memref<16xi32, #tpu.memory_space<vmem>>
      %dma_wait3A_107 = arith.constant 0 : i32
      %dma_wait3A_108 = arith.constant 0 : i32
      %dma_wait3A_109 = tpu.memref_slice %arg4[%dma_wait3A_107, %dma_wait3A_108] : memref<8192x768xf32, #tpu.memory_space<hbm>> -> memref<8192x768xf32, #tpu.memory_space<hbm>>
      %dma_wait3A_110 = tpu.memref_slice %arg15[%dma_wait3A_105] : memref<4x!tpu.dma_semaphore, #tpu.memory_space<semaphore_mem>> -> memref<1x!tpu.dma_semaphore, #tpu.memory_space<semaphore_mem>>
      %dma_wait3A_111 = tpu.memref_squeeze %dma_wait3A_110 : memref<1x!tpu.dma_semaphore, #tpu.memory_space<semaphore_mem>> -> memref<!tpu.dma_semaphore, #tpu.memory_space<semaphore_mem>>
      tpu.wait_indirect_dma semaphore(%dma_wait3A_111 : memref<!tpu.dma_semaphore, #tpu.memory_space<semaphore_mem>>) src(%dma_wait3A_109 : memref<8192x768xf32, #tpu.memory_space<hbm>>) dst(%arg7 : memref<16x768xf32, #tpu.memory_space<vmem>>)
      %mul3A_112 = arith.constant 16 : i32
      %mul3A_113 = arith.muli %add3A_98, %mul3A_112 : i32
      %add3A_114 = arith.addi %mul3A_2, %mul3A_113 : i32
      %dma_wait3A_115 = arith.constant 0 : i32
      %dma_wait3A_116 = arith.constant 0 : i32
      %dma_wait3A_117 = tpu.memref_slice %arg2[%add3A_114, %dma_wait3A_116] : memref<32768x768xf32, #tpu.memory_space<hbm>> -> memref<16x768xf32, #tpu.memory_space<hbm>>
      %dma_wait3A_118 = tpu.memref_slice %arg16[%dma_wait3A_115] : memref<4x!tpu.dma_semaphore, #tpu.memory_space<semaphore_mem>> -> memref<1x!tpu.dma_semaphore, #tpu.memory_space<semaphore_mem>>
      %dma_wait3A_119 = tpu.memref_squeeze %dma_wait3A_118 : memref<1x!tpu.dma_semaphore, #tpu.memory_space<semaphore_mem>> -> memref<!tpu.dma_semaphore, #tpu.memory_space<semaphore_mem>>
      %dma_wait3A_120 = arith.constant 0 : i32
      %dma_wait3A_121 = tpu.memref_slice %arg2[%add3A_114, %dma_wait3A_120] : memref<32768x768xf32, #tpu.memory_space<hbm>> -> memref<16x768xf32, #tpu.memory_space<hbm>>
      tpu.wait_dma2 semaphore(%dma_wait3A_119 : memref<!tpu.dma_semaphore, #tpu.memory_space<semaphore_mem>>) src(%dma_wait3A_121 : memref<16x768xf32, #tpu.memory_space<hbm>>) dst(%arg11 : memref<16x768xf32, #tpu.memory_space<vmem>>)
      %scan3A_122 = arith.constant 0 : i32
      %scan3A_123 = arith.constant 16 : i32
      %scan3A_124 = arith.addi %scan3A_122, %scan3A_123 : i32
      %scan3A_125 = arith.constant 1 : i32
      scf.for %scan3A_294 = %scan3A_122 to %scan3A_124 step %scan3A_125  : i32 {
        %mul3A_295 = arith.constant 1 : i32
        %mul3A_296 = arith.muli %scan3A_294, %mul3A_295 : i32
        %add3A_297 = arith.constant 0 : i32
        %add3A_298 = arith.addi %add3A_297, %mul3A_296 : i32
        %scan3A_299 = arith.constant 0 : i32
        %scan3A_300 = arith.constant 6 : i32
        %scan3A_301 = arith.addi %scan3A_299, %scan3A_300 : i32
        %scan3A_302 = arith.constant 1 : i32
        scf.for %scan3A_304 = %scan3A_299 to %scan3A_301 step %scan3A_302  : i32 {
          %mul3A_305 = arith.constant 128 : i32
          %mul3A_306 = arith.muli %scan3A_304, %mul3A_305 : i32
          %add3A_307 = arith.constant 0 : i32
          %add3A_308 = arith.addi %add3A_307, %mul3A_306 : i32
          %add3A_309 = arith.constant 0 : i32
          %add3A_310 = arith.addi %add3A_308, %add3A_309 : i32
          %get3A = arith.index_cast %add3A_298 : i32 to index
          %get3A_311 = arith.index_cast %add3A_310 : i32 to index
          %get3A_312 = tpu.vector_load %arg7[%get3A, %get3A_311] {strides = array<i32>} : memref<16x768xf32, #tpu.memory_space<vmem>>, vector<1x16xf32>,
          %get3A_313 = vector.shape_cast %get3A_312 : vector<1x16xf32> to vector<16xf32>
          %add3A_314 = arith.constant 16 : i32
          %add3A_315 = arith.addi %add3A_308, %add3A_314 : i32
          %get3A_316 = arith.index_cast %add3A_298 : i32 to index
          %get3A_317 = arith.index_cast %add3A_315 : i32 to index
          %get3A_318 = tpu.vector_load %arg7[%get3A_316, %get3A_317] {strides = array<i32>} : memref<16x768xf32, #tpu.memory_space<vmem>>, vector<1x16xf32>,
          %get3A_319 = vector.shape_cast %get3A_318 : vector<1x16xf32> to vector<16xf32>
          %add3A_320 = arith.constant 32 : i32
          %add3A_321 = arith.addi %add3A_308, %add3A_320 : i32
          %get3A_322 = arith.index_cast %add3A_298 : i32 to index
          %get3A_323 = arith.index_cast %add3A_321 : i32 to index
          %get3A_324 = tpu.vector_load %arg7[%get3A_322, %get3A_323] {strides = array<i32>} : memref<16x768xf32, #tpu.memory_space<vmem>>, vector<1x16xf32>,
          %get3A_325 = vector.shape_cast %get3A_324 : vector<1x16xf32> to vector<16xf32>
          %add3A_326 = arith.constant 48 : i32
          %add3A_327 = arith.addi %add3A_308, %add3A_326 : i32
          %get3A_328 = arith.index_cast %add3A_298 : i32 to index
          %get3A_329 = arith.index_cast %add3A_327 : i32 to index
          %get3A_330 = tpu.vector_load %arg7[%get3A_328, %get3A_329] {strides = array<i32>} : memref<16x768xf32, #tpu.memory_space<vmem>>, vector<1x16xf32>,
          %get3A_331 = vector.shape_cast %get3A_330 : vector<1x16xf32> to vector<16xf32>
          %add3A_332 = arith.constant 64 : i32
          %add3A_333 = arith.addi %add3A_308, %add3A_332 : i32
          %get3A_334 = arith.index_cast %add3A_298 : i32 to index
          %get3A_335 = arith.index_cast %add3A_333 : i32 to index
          %get3A_336 = tpu.vector_load %arg7[%get3A_334, %get3A_335] {strides = array<i32>} : memref<16x768xf32, #tpu.memory_space<vmem>>, vector<1x16xf32>,
          %get3A_337 = vector.shape_cast %get3A_336 : vector<1x16xf32> to vector<16xf32>
          %add3A_338 = arith.constant 80 : i32
          %add3A_339 = arith.addi %add3A_308, %add3A_338 : i32
          %get3A_340 = arith.index_cast %add3A_298 : i32 to index
          %get3A_341 = arith.index_cast %add3A_339 : i32 to index
          %get3A_342 = tpu.vector_load %arg7[%get3A_340, %get3A_341] {strides = array<i32>} : memref<16x768xf32, #tpu.memory_space<vmem>>, vector<1x16xf32>,
          %get3A_343 = vector.shape_cast %get3A_342 : vector<1x16xf32> to vector<16xf32>
          %add3A_344 = arith.constant 96 : i32
          %add3A_345 = arith.addi %add3A_308, %add3A_344 : i32
          %get3A_346 = arith.index_cast %add3A_298 : i32 to index
          %get3A_347 = arith.index_cast %add3A_345 : i32 to index
          %get3A_348 = tpu.vector_load %arg7[%get3A_346, %get3A_347] {strides = array<i32>} : memref<16x768xf32, #tpu.memory_space<vmem>>, vector<1x16xf32>,
          %get3A_349 = vector.shape_cast %get3A_348 : vector<1x16xf32> to vector<16xf32>
          %add3A_350 = arith.constant 112 : i32
          %add3A_351 = arith.addi %add3A_308, %add3A_350 : i32
          %get3A_352 = arith.index_cast %add3A_298 : i32 to index
          %get3A_353 = arith.index_cast %add3A_351 : i32 to index
          %get3A_354 = tpu.vector_load %arg7[%get3A_352, %get3A_353] {strides = array<i32>} : memref<16x768xf32, #tpu.memory_space<vmem>>, vector<1x16xf32>,
          %get3A_355 = vector.shape_cast %get3A_354 : vector<1x16xf32> to vector<16xf32>
          %add3A_356 = arith.constant 0 : i32
          %add3A_357 = arith.addi %add3A_308, %add3A_356 : i32
          %swap3A = arith.index_cast %add3A_298 : i32 to index
          %swap3A_358 = arith.index_cast %add3A_357 : i32 to index
          %swap3A_359 = tpu.vector_load %arg11[%swap3A, %swap3A_358] {strides = array<i32>} : memref<16x768xf32, #tpu.memory_space<vmem>>, vector<1x16xf32>,
          %swap3A_360 = vector.shape_cast %swap3A_359 : vector<1x16xf32> to vector<16xf32>
          %swap3A_361 = vector.shape_cast %get3A_313 : vector<16xf32> to vector<1x16xf32>
          tpu.vector_store %arg11[%swap3A, %swap3A_358], %swap3A_361 {add = true, strides = array<i32>} : memref<16x768xf32, #tpu.memory_space<vmem>>, vector<1x16xf32>,
          %add3A_362 = arith.constant 16 : i32
          %add3A_363 = arith.addi %add3A_308, %add3A_362 : i32
          %swap3A_364 = arith.index_cast %add3A_298 : i32 to index
          %swap3A_365 = arith.index_cast %add3A_363 : i32 to index
          %swap3A_366 = tpu.vector_load %arg11[%swap3A_364, %swap3A_365] {strides = array<i32>} : memref<16x768xf32, #tpu.memory_space<vmem>>, vector<1x16xf32>,
          %swap3A_367 = vector.shape_cast %swap3A_366 : vector<1x16xf32> to vector<16xf32>
          %swap3A_368 = vector.shape_cast %get3A_319 : vector<16xf32> to vector<1x16xf32>
          tpu.vector_store %arg11[%swap3A_364, %swap3A_365], %swap3A_368 {add = true, strides = array<i32>} : memref<16x768xf32, #tpu.memory_space<vmem>>, vector<1x16xf32>,
          %add3A_369 = arith.constant 32 : i32
          %add3A_370 = arith.addi %add3A_308, %add3A_369 : i32
          %swap3A_371 = arith.index_cast %add3A_298 : i32 to index
          %swap3A_372 = arith.index_cast %add3A_370 : i32 to index
          %swap3A_373 = tpu.vector_load %arg11[%swap3A_371, %swap3A_372] {strides = array<i32>} : memref<16x768xf32, #tpu.memory_space<vmem>>, vector<1x16xf32>,
          %swap3A_374 = vector.shape_cast %swap3A_373 : vector<1x16xf32> to vector<16xf32>
          %swap3A_375 = vector.shape_cast %get3A_325 : vector<16xf32> to vector<1x16xf32>
          tpu.vector_store %arg11[%swap3A_371, %swap3A_372], %swap3A_375 {add = true, strides = array<i32>} : memref<16x768xf32, #tpu.memory_space<vmem>>, vector<1x16xf32>,
          %add3A_376 = arith.constant 48 : i32
          %add3A_377 = arith.addi %add3A_308, %add3A_376 : i32
          %swap3A_378 = arith.index_cast %add3A_298 : i32 to index
          %swap3A_379 = arith.index_cast %add3A_377 : i32 to index
          %swap3A_380 = tpu.vector_load %arg11[%swap3A_378, %swap3A_379] {strides = array<i32>} : memref<16x768xf32, #tpu.memory_space<vmem>>, vector<1x16xf32>,
          %swap3A_381 = vector.shape_cast %swap3A_380 : vector<1x16xf32> to vector<16xf32>
          %swap3A_382 = vector.shape_cast %get3A_331 : vector<16xf32> to vector<1x16xf32>
          tpu.vector_store %arg11[%swap3A_378, %swap3A_379], %swap3A_382 {add = true, strides = array<i32>} : memref<16x768xf32, #tpu.memory_space<vmem>>, vector<1x16xf32>,
          %add3A_383 = arith.constant 64 : i32
          %add3A_384 = arith.addi %add3A_308, %add3A_383 : i32
          %swap3A_385 = arith.index_cast %add3A_298 : i32 to index
          %swap3A_386 = arith.index_cast %add3A_384 : i32 to index
          %swap3A_387 = tpu.vector_load %arg11[%swap3A_385, %swap3A_386] {strides = array<i32>} : memref<16x768xf32, #tpu.memory_space<vmem>>, vector<1x16xf32>,
          %swap3A_388 = vector.shape_cast %swap3A_387 : vector<1x16xf32> to vector<16xf32>
          %swap3A_389 = vector.shape_cast %get3A_337 : vector<16xf32> to vector<1x16xf32>
          tpu.vector_store %arg11[%swap3A_385, %swap3A_386], %swap3A_389 {add = true, strides = array<i32>} : memref<16x768xf32, #tpu.memory_space<vmem>>, vector<1x16xf32>,
          %add3A_390 = arith.constant 80 : i32
          %add3A_391 = arith.addi %add3A_308, %add3A_390 : i32
          %swap3A_392 = arith.index_cast %add3A_298 : i32 to index
          %swap3A_393 = arith.index_cast %add3A_391 : i32 to index
          %swap3A_394 = tpu.vector_load %arg11[%swap3A_392, %swap3A_393] {strides = array<i32>} : memref<16x768xf32, #tpu.memory_space<vmem>>, vector<1x16xf32>,
          %swap3A_395 = vector.shape_cast %swap3A_394 : vector<1x16xf32> to vector<16xf32>
          %swap3A_396 = vector.shape_cast %get3A_343 : vector<16xf32> to vector<1x16xf32>
          tpu.vector_store %arg11[%swap3A_392, %swap3A_393], %swap3A_396 {add = true, strides = array<i32>} : memref<16x768xf32, #tpu.memory_space<vmem>>, vector<1x16xf32>,
          %add3A_397 = arith.constant 96 : i32
          %add3A_398 = arith.addi %add3A_308, %add3A_397 : i32
          %swap3A_399 = arith.index_cast %add3A_298 : i32 to index
          %swap3A_400 = arith.index_cast %add3A_398 : i32 to index
          %swap3A_401 = tpu.vector_load %arg11[%swap3A_399, %swap3A_400] {strides = array<i32>} : memref<16x768xf32, #tpu.memory_space<vmem>>, vector<1x16xf32>,
          %swap3A_402 = vector.shape_cast %swap3A_401 : vector<1x16xf32> to vector<16xf32>
          %swap3A_403 = vector.shape_cast %get3A_349 : vector<16xf32> to vector<1x16xf32>
          tpu.vector_store %arg11[%swap3A_399, %swap3A_400], %swap3A_403 {add = true, strides = array<i32>} : memref<16x768xf32, #tpu.memory_space<vmem>>, vector<1x16xf32>,
          %add3A_404 = arith.constant 112 : i32
          %add3A_405 = arith.addi %add3A_308, %add3A_404 : i32
          %swap3A_406 = arith.index_cast %add3A_298 : i32 to index
          %swap3A_407 = arith.index_cast %add3A_405 : i32 to index
          %swap3A_408 = tpu.vector_load %arg11[%swap3A_406, %swap3A_407] {strides = array<i32>} : memref<16x768xf32, #tpu.memory_space<vmem>>, vector<1x16xf32>,
          %swap3A_409 = vector.shape_cast %swap3A_408 : vector<1x16xf32> to vector<16xf32>
          %swap3A_410 = vector.shape_cast %get3A_355 : vector<16xf32> to vector<1x16xf32>
          tpu.vector_store %arg11[%swap3A_406, %swap3A_407], %swap3A_410 {add = true, strides = array<i32>} : memref<16x768xf32, #tpu.memory_space<vmem>>, vector<1x16xf32>,
        }
        %scan3A_303 = arith.constant 6 : i32
      }
      %scan3A_126 = arith.constant 16 : i32
      %mul3A_127 = arith.constant 16 : i32
      %mul3A_128 = arith.muli %add3A_98, %mul3A_127 : i32
      %add3A_129 = arith.addi %mul3A_2, %mul3A_128 : i32
      %dma_start3A_130 = arith.constant 0 : i32
      %dma_start3A_131 = arith.constant 0 : i32
      %dma_start3A_132 = tpu.memref_slice %arg5[%add3A_129, %dma_start3A_131] : memref<32768x768xf32, #tpu.memory_space<hbm>> -> memref<16x768xf32, #tpu.memory_space<hbm>>
      %dma_start3A_133 = tpu.memref_slice %arg17[%dma_start3A_130] : memref<4x!tpu.dma_semaphore, #tpu.memory_space<semaphore_mem>> -> memref<1x!tpu.dma_semaphore, #tpu.memory_space<semaphore_mem>>
      %dma_start3A_134 = tpu.memref_squeeze %dma_start3A_133 : memref<1x!tpu.dma_semaphore, #tpu.memory_space<semaphore_mem>> -> memref<!tpu.dma_semaphore, #tpu.memory_space<semaphore_mem>>
      %dma_start3A_135 = arith.constant 0 : i32
      %dma_start3A_136 = tpu.memref_slice %arg5[%add3A_129, %dma_start3A_135] : memref<32768x768xf32, #tpu.memory_space<hbm>> -> memref<16x768xf32, #tpu.memory_space<hbm>>
      tpu.enqueue_dma source(%arg11 : memref<16x768xf32, #tpu.memory_space<vmem>>) target(%dma_start3A_136 : memref<16x768xf32, #tpu.memory_space<hbm>>) target_semaphore(%dma_start3A_134 : memref<!tpu.dma_semaphore, #tpu.memory_space<semaphore_mem>>)
      %add3A_137 = arith.constant 3 : i32
      %add3A_138 = arith.addi %add3A_98, %add3A_137 : i32
      %lt3A_139 = arith.constant 64 : i32
      %lt3A_140 = arith.cmpi slt, %add3A_138, %lt3A_139 : i32
      %convert_element_type3A_141 = arith.extui %lt3A_140 : i1 to i32
      %cond3A_142 = arith.constant 0 : i32
      %cond3A_143 = arith.cmpi ne, %convert_element_type3A_141, %cond3A_142 : i32
      scf.if %cond3A_143 {
        %ge3A = arith.constant 1 : i32
        %ge3A_294 = arith.cmpi sge, %add3A_98, %ge3A : i32
        %convert_element_type3A_295 = arith.extui %ge3A_294 : i1 to i32
        %cond3A_296 = arith.constant 0 : i32
        %cond3A_297 = arith.cmpi ne, %convert_element_type3A_295, %cond3A_296 : i32
        scf.if %cond3A_297 {
          %sub3A = arith.constant 1 : i32
          %sub3A_310 = arith.subi %add3A_98, %sub3A : i32
          %mul3A_311 = arith.constant 16 : i32
          %mul3A_312 = arith.muli %sub3A_310, %mul3A_311 : i32
          %add3A_313 = arith.addi %mul3A_2, %mul3A_312 : i32
          %dma_wait3A_314 = arith.constant 3 : i32
          %dma_wait3A_315 = arith.constant 0 : i32
          %dma_wait3A_316 = tpu.memref_slice %arg5[%add3A_313, %dma_wait3A_315] : memref<32768x768xf32, #tpu.memory_space<hbm>> -> memref<16x768xf32, #tpu.memory_space<hbm>>
          %dma_wait3A_317 = tpu.memref_slice %arg17[%dma_wait3A_314] : memref<4x!tpu.dma_semaphore, #tpu.memory_space<semaphore_mem>> -> memref<1x!tpu.dma_semaphore, #tpu.memory_space<semaphore_mem>>
          %dma_wait3A_318 = tpu.memref_squeeze %dma_wait3A_317 : memref<1x!tpu.dma_semaphore, #tpu.memory_space<semaphore_mem>> -> memref<!tpu.dma_semaphore, #tpu.memory_space<semaphore_mem>>
          %dma_wait3A_319 = arith.constant 0 : i32
          %dma_wait3A_320 = tpu.memref_slice %arg5[%add3A_313, %dma_wait3A_319] : memref<32768x768xf32, #tpu.memory_space<hbm>> -> memref<16x768xf32, #tpu.memory_space<hbm>>
          tpu.wait_dma2 semaphore(%dma_wait3A_318 : memref<!tpu.dma_semaphore, #tpu.memory_space<semaphore_mem>>) src(%arg14 : memref<16x768xf32, #tpu.memory_space<vmem>>) dst(%dma_wait3A_320 : memref<16x768xf32, #tpu.memory_space<hbm>>)
        } else {
        }
        %add3A_298 = arith.constant 3 : i32
        %add3A_299 = arith.addi %add3A_98, %add3A_298 : i32
        %mul3A_300 = arith.constant 16 : i32
        %mul3A_301 = arith.muli %add3A_299, %mul3A_300 : i32
        %add3A_302 = arith.addi %mul3A_2, %mul3A_301 : i32
        %dma_start3A_303 = arith.constant 3 : i32
        %dma_start3A_304 = arith.constant 0 : i32
        %dma_start3A_305 = tpu.memref_slice %arg2[%add3A_302, %dma_start3A_304] : memref<32768x768xf32, #tpu.memory_space<hbm>> -> memref<16x768xf32, #tpu.memory_space<hbm>>
        %dma_start3A_306 = tpu.memref_slice %arg16[%dma_start3A_303] : memref<4x!tpu.dma_semaphore, #tpu.memory_space<semaphore_mem>> -> memref<1x!tpu.dma_semaphore, #tpu.memory_space<semaphore_mem>>
        %dma_start3A_307 = tpu.memref_squeeze %dma_start3A_306 : memref<1x!tpu.dma_semaphore, #tpu.memory_space<semaphore_mem>> -> memref<!tpu.dma_semaphore, #tpu.memory_space<semaphore_mem>>
        %dma_start3A_308 = arith.constant 0 : i32
        %dma_start3A_309 = tpu.memref_slice %arg2[%add3A_302, %dma_start3A_308] : memref<32768x768xf32, #tpu.memory_space<hbm>> -> memref<16x768xf32, #tpu.memory_space<hbm>>
        tpu.enqueue_dma source(%dma_start3A_309 : memref<16x768xf32, #tpu.memory_space<hbm>>) target(%arg14 : memref<16x768xf32, #tpu.memory_space<vmem>>) target_semaphore(%dma_start3A_307 : memref<!tpu.dma_semaphore, #tpu.memory_space<semaphore_mem>>)
      } else {
      }
      %add3A_144 = arith.constant 1 : i32
      %add3A_145 = arith.addi %add3A_96, %add3A_144 : i32
      %add3A_146 = arith.constant 3 : i32
      %add3A_147 = arith.addi %add3A_145, %add3A_146 : i32
      %lt3A_148 = arith.constant 64 : i32
      %lt3A_149 = arith.cmpi slt, %add3A_147, %lt3A_148 : i32
      %convert_element_type3A_150 = arith.extui %lt3A_149 : i1 to i32
      %cond3A_151 = arith.constant 0 : i32
      %cond3A_152 = arith.cmpi ne, %convert_element_type3A_150, %cond3A_151 : i32
      scf.if %cond3A_152 {
        %add3A_294 = arith.constant 3 : i32
        %add3A_295 = arith.addi %add3A_145, %add3A_294 : i32
        %mul3A_296 = arith.constant 16 : i32
        %mul3A_297 = arith.muli %add3A_295, %mul3A_296 : i32
        %dma_start3A_298 = arith.constant 0 : i32
        %dma_start3A_299 = tpu.memref_slice %arg6[%mul3A_297] : memref<1024xi32, #tpu.memory_space<vmem>> -> memref<16xi32, #tpu.memory_space<vmem>>
        %dma_start3A_300 = arith.constant 0 : i32
        %dma_start3A_301 = arith.constant 0 : i32
        %dma_start3A_302 = tpu.memref_slice %arg4[%dma_start3A_300, %dma_start3A_301] : memref<8192x768xf32, #tpu.memory_space<hbm>> -> memref<8192x768xf32, #tpu.memory_space<hbm>>
        %dma_start3A_303 = tpu.memref_slice %arg15[%dma_start3A_298] : memref<4x!tpu.dma_semaphore, #tpu.memory_space<semaphore_mem>> -> memref<1x!tpu.dma_semaphore, #tpu.memory_space<semaphore_mem>>
        %dma_start3A_304 = tpu.memref_squeeze %dma_start3A_303 : memref<1x!tpu.dma_semaphore, #tpu.memory_space<semaphore_mem>> -> memref<!tpu.dma_semaphore, #tpu.memory_space<semaphore_mem>>
        tpu.enqueue_indirect_dma source(%dma_start3A_302 : memref<8192x768xf32, #tpu.memory_space<hbm>>) target(%arg7 : memref<16x768xf32, #tpu.memory_space<vmem>>) offsets(%dma_start3A_299 : memref<16xi32, #tpu.memory_space<vmem>>) semaphore(%dma_start3A_304 : memref<!tpu.dma_semaphore, #tpu.memory_space<semaphore_mem>>)
      } else {
      }
      %mul3A_153 = arith.constant 16 : i32
      %mul3A_154 = arith.muli %add3A_145, %mul3A_153 : i32
      %dma_wait3A_155 = arith.constant 1 : i32
      %dma_wait3A_156 = tpu.memref_slice %arg6[%mul3A_154] : memref<1024xi32, #tpu.memory_space<vmem>> -> memref<16xi32, #tpu.memory_space<vmem>>
      %dma_wait3A_157 = arith.constant 0 : i32
      %dma_wait3A_158 = arith.constant 0 : i32
      %dma_wait3A_159 = tpu.memref_slice %arg4[%dma_wait3A_157, %dma_wait3A_158] : memref<8192x768xf32, #tpu.memory_space<hbm>> -> memref<8192x768xf32, #tpu.memory_space<hbm>>
      %dma_wait3A_160 = tpu.memref_slice %arg15[%dma_wait3A_155] : memref<4x!tpu.dma_semaphore, #tpu.memory_space<semaphore_mem>> -> memref<1x!tpu.dma_semaphore, #tpu.memory_space<semaphore_mem>>
      %dma_wait3A_161 = tpu.memref_squeeze %dma_wait3A_160 : memref<1x!tpu.dma_semaphore, #tpu.memory_space<semaphore_mem>> -> memref<!tpu.dma_semaphore, #tpu.memory_space<semaphore_mem>>
      tpu.wait_indirect_dma semaphore(%dma_wait3A_161 : memref<!tpu.dma_semaphore, #tpu.memory_space<semaphore_mem>>) src(%dma_wait3A_159 : memref<8192x768xf32, #tpu.memory_space<hbm>>) dst(%arg8 : memref<16x768xf32, #tpu.memory_space<vmem>>)
      %mul3A_162 = arith.constant 16 : i32
      %mul3A_163 = arith.muli %add3A_145, %mul3A_162 : i32
      %add3A_164 = arith.addi %mul3A_2, %mul3A_163 : i32
      %dma_wait3A_165 = arith.constant 1 : i32
      %dma_wait3A_166 = arith.constant 0 : i32
      %dma_wait3A_167 = tpu.memref_slice %arg2[%add3A_164, %dma_wait3A_166] : memref<32768x768xf32, #tpu.memory_space<hbm>> -> memref<16x768xf32, #tpu.memory_space<hbm>>
      %dma_wait3A_168 = tpu.memref_slice %arg16[%dma_wait3A_165] : memref<4x!tpu.dma_semaphore, #tpu.memory_space<semaphore_mem>> -> memref<1x!tpu.dma_semaphore, #tpu.memory_space<semaphore_mem>>
      %dma_wait3A_169 = tpu.memref_squeeze %dma_wait3A_168 : memref<1x!tpu.dma_semaphore, #tpu.memory_space<semaphore_mem>> -> memref<!tpu.dma_semaphore, #tpu.memory_space<semaphore_mem>>
      %dma_wait3A_170 = arith.constant 0 : i32
      %dma_wait3A_171 = tpu.memref_slice %arg2[%add3A_164, %dma_wait3A_170] : memref<32768x768xf32, #tpu.memory_space<hbm>> -> memref<16x768xf32, #tpu.memory_space<hbm>>
      tpu.wait_dma2 semaphore(%dma_wait3A_169 : memref<!tpu.dma_semaphore, #tpu.memory_space<semaphore_mem>>) src(%dma_wait3A_171 : memref<16x768xf32, #tpu.memory_space<hbm>>) dst(%arg12 : memref<16x768xf32, #tpu.memory_space<vmem>>)
      %scan3A_172 = arith.constant 0 : i32
      %scan3A_173 = arith.constant 16 : i32
      %scan3A_174 = arith.addi %scan3A_172, %scan3A_173 : i32
      %scan3A_175 = arith.constant 1 : i32
      scf.for %scan3A_294 = %scan3A_172 to %scan3A_174 step %scan3A_175  : i32 {
        %mul3A_295 = arith.constant 1 : i32
        %mul3A_296 = arith.muli %scan3A_294, %mul3A_295 : i32
        %add3A_297 = arith.constant 0 : i32
        %add3A_298 = arith.addi %add3A_297, %mul3A_296 : i32
        %scan3A_299 = arith.constant 0 : i32
        %scan3A_300 = arith.constant 6 : i32
        %scan3A_301 = arith.addi %scan3A_299, %scan3A_300 : i32
        %scan3A_302 = arith.constant 1 : i32
        scf.for %scan3A_304 = %scan3A_299 to %scan3A_301 step %scan3A_302  : i32 {
          %mul3A_305 = arith.constant 128 : i32
          %mul3A_306 = arith.muli %scan3A_304, %mul3A_305 : i32
          %add3A_307 = arith.constant 0 : i32
          %add3A_308 = arith.addi %add3A_307, %mul3A_306 : i32
          %add3A_309 = arith.constant 0 : i32
          %add3A_310 = arith.addi %add3A_308, %add3A_309 : i32
          %get3A = arith.index_cast %add3A_298 : i32 to index
          %get3A_311 = arith.index_cast %add3A_310 : i32 to index
          %get3A_312 = tpu.vector_load %arg8[%get3A, %get3A_311] {strides = array<i32>} : memref<16x768xf32, #tpu.memory_space<vmem>>, vector<1x16xf32>,
          %get3A_313 = vector.shape_cast %get3A_312 : vector<1x16xf32> to vector<16xf32>
          %add3A_314 = arith.constant 16 : i32
          %add3A_315 = arith.addi %add3A_308, %add3A_314 : i32
          %get3A_316 = arith.index_cast %add3A_298 : i32 to index
          %get3A_317 = arith.index_cast %add3A_315 : i32 to index
          %get3A_318 = tpu.vector_load %arg8[%get3A_316, %get3A_317] {strides = array<i32>} : memref<16x768xf32, #tpu.memory_space<vmem>>, vector<1x16xf32>,
          %get3A_319 = vector.shape_cast %get3A_318 : vector<1x16xf32> to vector<16xf32>
          %add3A_320 = arith.constant 32 : i32
          %add3A_321 = arith.addi %add3A_308, %add3A_320 : i32
          %get3A_322 = arith.index_cast %add3A_298 : i32 to index
          %get3A_323 = arith.index_cast %add3A_321 : i32 to index
          %get3A_324 = tpu.vector_load %arg8[%get3A_322, %get3A_323] {strides = array<i32>} : memref<16x768xf32, #tpu.memory_space<vmem>>, vector<1x16xf32>,
          %get3A_325 = vector.shape_cast %get3A_324 : vector<1x16xf32> to vector<16xf32>
          %add3A_326 = arith.constant 48 : i32
          %add3A_327 = arith.addi %add3A_308, %add3A_326 : i32
          %get3A_328 = arith.index_cast %add3A_298 : i32 to index
          %get3A_329 = arith.index_cast %add3A_327 : i32 to index
          %get3A_330 = tpu.vector_load %arg8[%get3A_328, %get3A_329] {strides = array<i32>} : memref<16x768xf32, #tpu.memory_space<vmem>>, vector<1x16xf32>,
          %get3A_331 = vector.shape_cast %get3A_330 : vector<1x16xf32> to vector<16xf32>
          %add3A_332 = arith.constant 64 : i32
          %add3A_333 = arith.addi %add3A_308, %add3A_332 : i32
          %get3A_334 = arith.index_cast %add3A_298 : i32 to index
          %get3A_335 = arith.index_cast %add3A_333 : i32 to index
          %get3A_336 = tpu.vector_load %arg8[%get3A_334, %get3A_335] {strides = array<i32>} : memref<16x768xf32, #tpu.memory_space<vmem>>, vector<1x16xf32>,
          %get3A_337 = vector.shape_cast %get3A_336 : vector<1x16xf32> to vector<16xf32>
          %add3A_338 = arith.constant 80 : i32
          %add3A_339 = arith.addi %add3A_308, %add3A_338 : i32
          %get3A_340 = arith.index_cast %add3A_298 : i32 to index
          %get3A_341 = arith.index_cast %add3A_339 : i32 to index
          %get3A_342 = tpu.vector_load %arg8[%get3A_340, %get3A_341] {strides = array<i32>} : memref<16x768xf32, #tpu.memory_space<vmem>>, vector<1x16xf32>,
          %get3A_343 = vector.shape_cast %get3A_342 : vector<1x16xf32> to vector<16xf32>
          %add3A_344 = arith.constant 96 : i32
          %add3A_345 = arith.addi %add3A_308, %add3A_344 : i32
          %get3A_346 = arith.index_cast %add3A_298 : i32 to index
          %get3A_347 = arith.index_cast %add3A_345 : i32 to index
          %get3A_348 = tpu.vector_load %arg8[%get3A_346, %get3A_347] {strides = array<i32>} : memref<16x768xf32, #tpu.memory_space<vmem>>, vector<1x16xf32>,
          %get3A_349 = vector.shape_cast %get3A_348 : vector<1x16xf32> to vector<16xf32>
          %add3A_350 = arith.constant 112 : i32
          %add3A_351 = arith.addi %add3A_308, %add3A_350 : i32
          %get3A_352 = arith.index_cast %add3A_298 : i32 to index
          %get3A_353 = arith.index_cast %add3A_351 : i32 to index
          %get3A_354 = tpu.vector_load %arg8[%get3A_352, %get3A_353] {strides = array<i32>} : memref<16x768xf32, #tpu.memory_space<vmem>>, vector<1x16xf32>,
          %get3A_355 = vector.shape_cast %get3A_354 : vector<1x16xf32> to vector<16xf32>
          %add3A_356 = arith.constant 0 : i32
          %add3A_357 = arith.addi %add3A_308, %add3A_356 : i32
          %swap3A = arith.index_cast %add3A_298 : i32 to index
          %swap3A_358 = arith.index_cast %add3A_357 : i32 to index
          %swap3A_359 = tpu.vector_load %arg12[%swap3A, %swap3A_358] {strides = array<i32>} : memref<16x768xf32, #tpu.memory_space<vmem>>, vector<1x16xf32>,
          %swap3A_360 = vector.shape_cast %swap3A_359 : vector<1x16xf32> to vector<16xf32>
          %swap3A_361 = vector.shape_cast %get3A_313 : vector<16xf32> to vector<1x16xf32>
          tpu.vector_store %arg12[%swap3A, %swap3A_358], %swap3A_361 {add = true, strides = array<i32>} : memref<16x768xf32, #tpu.memory_space<vmem>>, vector<1x16xf32>,
          %add3A_362 = arith.constant 16 : i32
          %add3A_363 = arith.addi %add3A_308, %add3A_362 : i32
          %swap3A_364 = arith.index_cast %add3A_298 : i32 to index
          %swap3A_365 = arith.index_cast %add3A_363 : i32 to index
          %swap3A_366 = tpu.vector_load %arg12[%swap3A_364, %swap3A_365] {strides = array<i32>} : memref<16x768xf32, #tpu.memory_space<vmem>>, vector<1x16xf32>,
          %swap3A_367 = vector.shape_cast %swap3A_366 : vector<1x16xf32> to vector<16xf32>
          %swap3A_368 = vector.shape_cast %get3A_319 : vector<16xf32> to vector<1x16xf32>
          tpu.vector_store %arg12[%swap3A_364, %swap3A_365], %swap3A_368 {add = true, strides = array<i32>} : memref<16x768xf32, #tpu.memory_space<vmem>>, vector<1x16xf32>,
          %add3A_369 = arith.constant 32 : i32
          %add3A_370 = arith.addi %add3A_308, %add3A_369 : i32
          %swap3A_371 = arith.index_cast %add3A_298 : i32 to index
          %swap3A_372 = arith.index_cast %add3A_370 : i32 to index
          %swap3A_373 = tpu.vector_load %arg12[%swap3A_371, %swap3A_372] {strides = array<i32>} : memref<16x768xf32, #tpu.memory_space<vmem>>, vector<1x16xf32>,
          %swap3A_374 = vector.shape_cast %swap3A_373 : vector<1x16xf32> to vector<16xf32>
          %swap3A_375 = vector.shape_cast %get3A_325 : vector<16xf32> to vector<1x16xf32>
          tpu.vector_store %arg12[%swap3A_371, %swap3A_372], %swap3A_375 {add = true, strides = array<i32>} : memref<16x768xf32, #tpu.memory_space<vmem>>, vector<1x16xf32>,
          %add3A_376 = arith.constant 48 : i32
          %add3A_377 = arith.addi %add3A_308, %add3A_376 : i32
          %swap3A_378 = arith.index_cast %add3A_298 : i32 to index
          %swap3A_379 = arith.index_cast %add3A_377 : i32 to index
          %swap3A_380 = tpu.vector_load %arg12[%swap3A_378, %swap3A_379] {strides = array<i32>} : memref<16x768xf32, #tpu.memory_space<vmem>>, vector<1x16xf32>,
          %swap3A_381 = vector.shape_cast %swap3A_380 : vector<1x16xf32> to vector<16xf32>
          %swap3A_382 = vector.shape_cast %get3A_331 : vector<16xf32> to vector<1x16xf32>
          tpu.vector_store %arg12[%swap3A_378, %swap3A_379], %swap3A_382 {add = true, strides = array<i32>} : memref<16x768xf32, #tpu.memory_space<vmem>>, vector<1x16xf32>,
          %add3A_383 = arith.constant 64 : i32
          %add3A_384 = arith.addi %add3A_308, %add3A_383 : i32
          %swap3A_385 = arith.index_cast %add3A_298 : i32 to index
          %swap3A_386 = arith.index_cast %add3A_384 : i32 to index
          %swap3A_387 = tpu.vector_load %arg12[%swap3A_385, %swap3A_386] {strides = array<i32>} : memref<16x768xf32, #tpu.memory_space<vmem>>, vector<1x16xf32>,
          %swap3A_388 = vector.shape_cast %swap3A_387 : vector<1x16xf32> to vector<16xf32>
          %swap3A_389 = vector.shape_cast %get3A_337 : vector<16xf32> to vector<1x16xf32>
          tpu.vector_store %arg12[%swap3A_385, %swap3A_386], %swap3A_389 {add = true, strides = array<i32>} : memref<16x768xf32, #tpu.memory_space<vmem>>, vector<1x16xf32>,
          %add3A_390 = arith.constant 80 : i32
          %add3A_391 = arith.addi %add3A_308, %add3A_390 : i32
          %swap3A_392 = arith.index_cast %add3A_298 : i32 to index
          %swap3A_393 = arith.index_cast %add3A_391 : i32 to index
          %swap3A_394 = tpu.vector_load %arg12[%swap3A_392, %swap3A_393] {strides = array<i32>} : memref<16x768xf32, #tpu.memory_space<vmem>>, vector<1x16xf32>,
          %swap3A_395 = vector.shape_cast %swap3A_394 : vector<1x16xf32> to vector<16xf32>
          %swap3A_396 = vector.shape_cast %get3A_343 : vector<16xf32> to vector<1x16xf32>
          tpu.vector_store %arg12[%swap3A_392, %swap3A_393], %swap3A_396 {add = true, strides = array<i32>} : memref<16x768xf32, #tpu.memory_space<vmem>>, vector<1x16xf32>,
          %add3A_397 = arith.constant 96 : i32
          %add3A_398 = arith.addi %add3A_308, %add3A_397 : i32
          %swap3A_399 = arith.index_cast %add3A_298 : i32 to index
          %swap3A_400 = arith.index_cast %add3A_398 : i32 to index
          %swap3A_401 = tpu.vector_load %arg12[%swap3A_399, %swap3A_400] {strides = array<i32>} : memref<16x768xf32, #tpu.memory_space<vmem>>, vector<1x16xf32>,
          %swap3A_402 = vector.shape_cast %swap3A_401 : vector<1x16xf32> to vector<16xf32>
          %swap3A_403 = vector.shape_cast %get3A_349 : vector<16xf32> to vector<1x16xf32>
          tpu.vector_store %arg12[%swap3A_399, %swap3A_400], %swap3A_403 {add = true, strides = array<i32>} : memref<16x768xf32, #tpu.memory_space<vmem>>, vector<1x16xf32>,
          %add3A_404 = arith.constant 112 : i32
          %add3A_405 = arith.addi %add3A_308, %add3A_404 : i32
          %swap3A_406 = arith.index_cast %add3A_298 : i32 to index
          %swap3A_407 = arith.index_cast %add3A_405 : i32 to index
          %swap3A_408 = tpu.vector_load %arg12[%swap3A_406, %swap3A_407] {strides = array<i32>} : memref<16x768xf32, #tpu.memory_space<vmem>>, vector<1x16xf32>,
          %swap3A_409 = vector.shape_cast %swap3A_408 : vector<1x16xf32> to vector<16xf32>
          %swap3A_410 = vector.shape_cast %get3A_355 : vector<16xf32> to vector<1x16xf32>
          tpu.vector_store %arg12[%swap3A_406, %swap3A_407], %swap3A_410 {add = true, strides = array<i32>} : memref<16x768xf32, #tpu.memory_space<vmem>>, vector<1x16xf32>,
        }
        %scan3A_303 = arith.constant 6 : i32
      }
      %scan3A_176 = arith.constant 16 : i32
      %mul3A_177 = arith.constant 16 : i32
      %mul3A_178 = arith.muli %add3A_145, %mul3A_177 : i32
      %add3A_179 = arith.addi %mul3A_2, %mul3A_178 : i32
      %dma_start3A_180 = arith.constant 1 : i32
      %dma_start3A_181 = arith.constant 0 : i32
      %dma_start3A_182 = tpu.memref_slice %arg5[%add3A_179, %dma_start3A_181] : memref<32768x768xf32, #tpu.memory_space<hbm>> -> memref<16x768xf32, #tpu.memory_space<hbm>>
      %dma_start3A_183 = tpu.memref_slice %arg17[%dma_start3A_180] : memref<4x!tpu.dma_semaphore, #tpu.memory_space<semaphore_mem>> -> memref<1x!tpu.dma_semaphore, #tpu.memory_space<semaphore_mem>>
      %dma_start3A_184 = tpu.memref_squeeze %dma_start3A_183 : memref<1x!tpu.dma_semaphore, #tpu.memory_space<semaphore_mem>> -> memref<!tpu.dma_semaphore, #tpu.memory_space<semaphore_mem>>
      %dma_start3A_185 = arith.constant 0 : i32
      %dma_start3A_186 = tpu.memref_slice %arg5[%add3A_179, %dma_start3A_185] : memref<32768x768xf32, #tpu.memory_space<hbm>> -> memref<16x768xf32, #tpu.memory_space<hbm>>
      tpu.enqueue_dma source(%arg12 : memref<16x768xf32, #tpu.memory_space<vmem>>) target(%dma_start3A_186 : memref<16x768xf32, #tpu.memory_space<hbm>>) target_semaphore(%dma_start3A_184 : memref<!tpu.dma_semaphore, #tpu.memory_space<semaphore_mem>>)
      %add3A_187 = arith.constant 3 : i32
      %add3A_188 = arith.addi %add3A_145, %add3A_187 : i32
      %lt3A_189 = arith.constant 64 : i32
      %lt3A_190 = arith.cmpi slt, %add3A_188, %lt3A_189 : i32
      %convert_element_type3A_191 = arith.extui %lt3A_190 : i1 to i32
      %cond3A_192 = arith.constant 0 : i32
      %cond3A_193 = arith.cmpi ne, %convert_element_type3A_191, %cond3A_192 : i32
      scf.if %cond3A_193 {
        %ge3A = arith.constant 1 : i32
        %ge3A_294 = arith.cmpi sge, %add3A_145, %ge3A : i32
        %convert_element_type3A_295 = arith.extui %ge3A_294 : i1 to i32
        %cond3A_296 = arith.constant 0 : i32
        %cond3A_297 = arith.cmpi ne, %convert_element_type3A_295, %cond3A_296 : i32
        scf.if %cond3A_297 {
          %sub3A = arith.constant 1 : i32
          %sub3A_310 = arith.subi %add3A_145, %sub3A : i32
          %mul3A_311 = arith.constant 16 : i32
          %mul3A_312 = arith.muli %sub3A_310, %mul3A_311 : i32
          %add3A_313 = arith.addi %mul3A_2, %mul3A_312 : i32
          %dma_wait3A_314 = arith.constant 0 : i32
          %dma_wait3A_315 = arith.constant 0 : i32
          %dma_wait3A_316 = tpu.memref_slice %arg5[%add3A_313, %dma_wait3A_315] : memref<32768x768xf32, #tpu.memory_space<hbm>> -> memref<16x768xf32, #tpu.memory_space<hbm>>
          %dma_wait3A_317 = tpu.memref_slice %arg17[%dma_wait3A_314] : memref<4x!tpu.dma_semaphore, #tpu.memory_space<semaphore_mem>> -> memref<1x!tpu.dma_semaphore, #tpu.memory_space<semaphore_mem>>
          %dma_wait3A_318 = tpu.memref_squeeze %dma_wait3A_317 : memref<1x!tpu.dma_semaphore, #tpu.memory_space<semaphore_mem>> -> memref<!tpu.dma_semaphore, #tpu.memory_space<semaphore_mem>>
          %dma_wait3A_319 = arith.constant 0 : i32
          %dma_wait3A_320 = tpu.memref_slice %arg5[%add3A_313, %dma_wait3A_319] : memref<32768x768xf32, #tpu.memory_space<hbm>> -> memref<16x768xf32, #tpu.memory_space<hbm>>
          tpu.wait_dma2 semaphore(%dma_wait3A_318 : memref<!tpu.dma_semaphore, #tpu.memory_space<semaphore_mem>>) src(%arg11 : memref<16x768xf32, #tpu.memory_space<vmem>>) dst(%dma_wait3A_320 : memref<16x768xf32, #tpu.memory_space<hbm>>)
        } else {
        }
        %add3A_298 = arith.constant 3 : i32
        %add3A_299 = arith.addi %add3A_145, %add3A_298 : i32
        %mul3A_300 = arith.constant 16 : i32
        %mul3A_301 = arith.muli %add3A_299, %mul3A_300 : i32
        %add3A_302 = arith.addi %mul3A_2, %mul3A_301 : i32
        %dma_start3A_303 = arith.constant 0 : i32
        %dma_start3A_304 = arith.constant 0 : i32
        %dma_start3A_305 = tpu.memref_slice %arg2[%add3A_302, %dma_start3A_304] : memref<32768x768xf32, #tpu.memory_space<hbm>> -> memref<16x768xf32, #tpu.memory_space<hbm>>
        %dma_start3A_306 = tpu.memref_slice %arg16[%dma_start3A_303] : memref<4x!tpu.dma_semaphore, #tpu.memory_space<semaphore_mem>> -> memref<1x!tpu.dma_semaphore, #tpu.memory_space<semaphore_mem>>
        %dma_start3A_307 = tpu.memref_squeeze %dma_start3A_306 : memref<1x!tpu.dma_semaphore, #tpu.memory_space<semaphore_mem>> -> memref<!tpu.dma_semaphore, #tpu.memory_space<semaphore_mem>>
        %dma_start3A_308 = arith.constant 0 : i32
        %dma_start3A_309 = tpu.memref_slice %arg2[%add3A_302, %dma_start3A_308] : memref<32768x768xf32, #tpu.memory_space<hbm>> -> memref<16x768xf32, #tpu.memory_space<hbm>>
        tpu.enqueue_dma source(%dma_start3A_309 : memref<16x768xf32, #tpu.memory_space<hbm>>) target(%arg11 : memref<16x768xf32, #tpu.memory_space<vmem>>) target_semaphore(%dma_start3A_307 : memref<!tpu.dma_semaphore, #tpu.memory_space<semaphore_mem>>)
      } else {
      }
      %add3A_194 = arith.constant 2 : i32
      %add3A_195 = arith.addi %add3A_96, %add3A_194 : i32
      %add3A_196 = arith.constant 3 : i32
      %add3A_197 = arith.addi %add3A_195, %add3A_196 : i32
      %lt3A_198 = arith.constant 64 : i32
      %lt3A_199 = arith.cmpi slt, %add3A_197, %lt3A_198 : i32
      %convert_element_type3A_200 = arith.extui %lt3A_199 : i1 to i32
      %cond3A_201 = arith.constant 0 : i32
      %cond3A_202 = arith.cmpi ne, %convert_element_type3A_200, %cond3A_201 : i32
      scf.if %cond3A_202 {
        %add3A_294 = arith.constant 3 : i32
        %add3A_295 = arith.addi %add3A_195, %add3A_294 : i32
        %mul3A_296 = arith.constant 16 : i32
        %mul3A_297 = arith.muli %add3A_295, %mul3A_296 : i32
        %dma_start3A_298 = arith.constant 1 : i32
        %dma_start3A_299 = tpu.memref_slice %arg6[%mul3A_297] : memref<1024xi32, #tpu.memory_space<vmem>> -> memref<16xi32, #tpu.memory_space<vmem>>
        %dma_start3A_300 = arith.constant 0 : i32
        %dma_start3A_301 = arith.constant 0 : i32
        %dma_start3A_302 = tpu.memref_slice %arg4[%dma_start3A_300, %dma_start3A_301] : memref<8192x768xf32, #tpu.memory_space<hbm>> -> memref<8192x768xf32, #tpu.memory_space<hbm>>
        %dma_start3A_303 = tpu.memref_slice %arg15[%dma_start3A_298] : memref<4x!tpu.dma_semaphore, #tpu.memory_space<semaphore_mem>> -> memref<1x!tpu.dma_semaphore, #tpu.memory_space<semaphore_mem>>
        %dma_start3A_304 = tpu.memref_squeeze %dma_start3A_303 : memref<1x!tpu.dma_semaphore, #tpu.memory_space<semaphore_mem>> -> memref<!tpu.dma_semaphore, #tpu.memory_space<semaphore_mem>>
        tpu.enqueue_indirect_dma source(%dma_start3A_302 : memref<8192x768xf32, #tpu.memory_space<hbm>>) target(%arg8 : memref<16x768xf32, #tpu.memory_space<vmem>>) offsets(%dma_start3A_299 : memref<16xi32, #tpu.memory_space<vmem>>) semaphore(%dma_start3A_304 : memref<!tpu.dma_semaphore, #tpu.memory_space<semaphore_mem>>)
      } else {
      }
      %mul3A_203 = arith.constant 16 : i32
      %mul3A_204 = arith.muli %add3A_195, %mul3A_203 : i32
      %dma_wait3A_205 = arith.constant 2 : i32
      %dma_wait3A_206 = tpu.memref_slice %arg6[%mul3A_204] : memref<1024xi32, #tpu.memory_space<vmem>> -> memref<16xi32, #tpu.memory_space<vmem>>
      %dma_wait3A_207 = arith.constant 0 : i32
      %dma_wait3A_208 = arith.constant 0 : i32
      %dma_wait3A_209 = tpu.memref_slice %arg4[%dma_wait3A_207, %dma_wait3A_208] : memref<8192x768xf32, #tpu.memory_space<hbm>> -> memref<8192x768xf32, #tpu.memory_space<hbm>>
      %dma_wait3A_210 = tpu.memref_slice %arg15[%dma_wait3A_205] : memref<4x!tpu.dma_semaphore, #tpu.memory_space<semaphore_mem>> -> memref<1x!tpu.dma_semaphore, #tpu.memory_space<semaphore_mem>>
      %dma_wait3A_211 = tpu.memref_squeeze %dma_wait3A_210 : memref<1x!tpu.dma_semaphore, #tpu.memory_space<semaphore_mem>> -> memref<!tpu.dma_semaphore, #tpu.memory_space<semaphore_mem>>
      tpu.wait_indirect_dma semaphore(%dma_wait3A_211 : memref<!tpu.dma_semaphore, #tpu.memory_space<semaphore_mem>>) src(%dma_wait3A_209 : memref<8192x768xf32, #tpu.memory_space<hbm>>) dst(%arg9 : memref<16x768xf32, #tpu.memory_space<vmem>>)
      %mul3A_212 = arith.constant 16 : i32
      %mul3A_213 = arith.muli %add3A_195, %mul3A_212 : i32
      %add3A_214 = arith.addi %mul3A_2, %mul3A_213 : i32
      %dma_wait3A_215 = arith.constant 2 : i32
      %dma_wait3A_216 = arith.constant 0 : i32
      %dma_wait3A_217 = tpu.memref_slice %arg2[%add3A_214, %dma_wait3A_216] : memref<32768x768xf32, #tpu.memory_space<hbm>> -> memref<16x768xf32, #tpu.memory_space<hbm>>
      %dma_wait3A_218 = tpu.memref_slice %arg16[%dma_wait3A_215] : memref<4x!tpu.dma_semaphore, #tpu.memory_space<semaphore_mem>> -> memref<1x!tpu.dma_semaphore, #tpu.memory_space<semaphore_mem>>
      %dma_wait3A_219 = tpu.memref_squeeze %dma_wait3A_218 : memref<1x!tpu.dma_semaphore, #tpu.memory_space<semaphore_mem>> -> memref<!tpu.dma_semaphore, #tpu.memory_space<semaphore_mem>>
      %dma_wait3A_220 = arith.constant 0 : i32
      %dma_wait3A_221 = tpu.memref_slice %arg2[%add3A_214, %dma_wait3A_220] : memref<32768x768xf32, #tpu.memory_space<hbm>> -> memref<16x768xf32, #tpu.memory_space<hbm>>
      tpu.wait_dma2 semaphore(%dma_wait3A_219 : memref<!tpu.dma_semaphore, #tpu.memory_space<semaphore_mem>>) src(%dma_wait3A_221 : memref<16x768xf32, #tpu.memory_space<hbm>>) dst(%arg13 : memref<16x768xf32, #tpu.memory_space<vmem>>)
      %scan3A_222 = arith.constant 0 : i32
      %scan3A_223 = arith.constant 16 : i32
      %scan3A_224 = arith.addi %scan3A_222, %scan3A_223 : i32
      %scan3A_225 = arith.constant 1 : i32
      scf.for %scan3A_294 = %scan3A_222 to %scan3A_224 step %scan3A_225  : i32 {
        %mul3A_295 = arith.constant 1 : i32
        %mul3A_296 = arith.muli %scan3A_294, %mul3A_295 : i32
        %add3A_297 = arith.constant 0 : i32
        %add3A_298 = arith.addi %add3A_297, %mul3A_296 : i32
        %scan3A_299 = arith.constant 0 : i32
        %scan3A_300 = arith.constant 6 : i32
        %scan3A_301 = arith.addi %scan3A_299, %scan3A_300 : i32
        %scan3A_302 = arith.constant 1 : i32
        scf.for %scan3A_304 = %scan3A_299 to %scan3A_301 step %scan3A_302  : i32 {
          %mul3A_305 = arith.constant 128 : i32
          %mul3A_306 = arith.muli %scan3A_304, %mul3A_305 : i32
          %add3A_307 = arith.constant 0 : i32
          %add3A_308 = arith.addi %add3A_307, %mul3A_306 : i32
          %add3A_309 = arith.constant 0 : i32
          %add3A_310 = arith.addi %add3A_308, %add3A_309 : i32
          %get3A = arith.index_cast %add3A_298 : i32 to index
          %get3A_311 = arith.index_cast %add3A_310 : i32 to index
          %get3A_312 = tpu.vector_load %arg9[%get3A, %get3A_311] {strides = array<i32>} : memref<16x768xf32, #tpu.memory_space<vmem>>, vector<1x16xf32>,
          %get3A_313 = vector.shape_cast %get3A_312 : vector<1x16xf32> to vector<16xf32>
          %add3A_314 = arith.constant 16 : i32
          %add3A_315 = arith.addi %add3A_308, %add3A_314 : i32
          %get3A_316 = arith.index_cast %add3A_298 : i32 to index
          %get3A_317 = arith.index_cast %add3A_315 : i32 to index
          %get3A_318 = tpu.vector_load %arg9[%get3A_316, %get3A_317] {strides = array<i32>} : memref<16x768xf32, #tpu.memory_space<vmem>>, vector<1x16xf32>,
          %get3A_319 = vector.shape_cast %get3A_318 : vector<1x16xf32> to vector<16xf32>
          %add3A_320 = arith.constant 32 : i32
          %add3A_321 = arith.addi %add3A_308, %add3A_320 : i32
          %get3A_322 = arith.index_cast %add3A_298 : i32 to index
          %get3A_323 = arith.index_cast %add3A_321 : i32 to index
          %get3A_324 = tpu.vector_load %arg9[%get3A_322, %get3A_323] {strides = array<i32>} : memref<16x768xf32, #tpu.memory_space<vmem>>, vector<1x16xf32>,
          %get3A_325 = vector.shape_cast %get3A_324 : vector<1x16xf32> to vector<16xf32>
          %add3A_326 = arith.constant 48 : i32
          %add3A_327 = arith.addi %add3A_308, %add3A_326 : i32
          %get3A_328 = arith.index_cast %add3A_298 : i32 to index
          %get3A_329 = arith.index_cast %add3A_327 : i32 to index
          %get3A_330 = tpu.vector_load %arg9[%get3A_328, %get3A_329] {strides = array<i32>} : memref<16x768xf32, #tpu.memory_space<vmem>>, vector<1x16xf32>,
          %get3A_331 = vector.shape_cast %get3A_330 : vector<1x16xf32> to vector<16xf32>
          %add3A_332 = arith.constant 64 : i32
          %add3A_333 = arith.addi %add3A_308, %add3A_332 : i32
          %get3A_334 = arith.index_cast %add3A_298 : i32 to index
          %get3A_335 = arith.index_cast %add3A_333 : i32 to index
          %get3A_336 = tpu.vector_load %arg9[%get3A_334, %get3A_335] {strides = array<i32>} : memref<16x768xf32, #tpu.memory_space<vmem>>, vector<1x16xf32>,
          %get3A_337 = vector.shape_cast %get3A_336 : vector<1x16xf32> to vector<16xf32>
          %add3A_338 = arith.constant 80 : i32
          %add3A_339 = arith.addi %add3A_308, %add3A_338 : i32
          %get3A_340 = arith.index_cast %add3A_298 : i32 to index
          %get3A_341 = arith.index_cast %add3A_339 : i32 to index
          %get3A_342 = tpu.vector_load %arg9[%get3A_340, %get3A_341] {strides = array<i32>} : memref<16x768xf32, #tpu.memory_space<vmem>>, vector<1x16xf32>,
          %get3A_343 = vector.shape_cast %get3A_342 : vector<1x16xf32> to vector<16xf32>
          %add3A_344 = arith.constant 96 : i32
          %add3A_345 = arith.addi %add3A_308, %add3A_344 : i32
          %get3A_346 = arith.index_cast %add3A_298 : i32 to index
          %get3A_347 = arith.index_cast %add3A_345 : i32 to index
          %get3A_348 = tpu.vector_load %arg9[%get3A_346, %get3A_347] {strides = array<i32>} : memref<16x768xf32, #tpu.memory_space<vmem>>, vector<1x16xf32>,
          %get3A_349 = vector.shape_cast %get3A_348 : vector<1x16xf32> to vector<16xf32>
          %add3A_350 = arith.constant 112 : i32
          %add3A_351 = arith.addi %add3A_308, %add3A_350 : i32
          %get3A_352 = arith.index_cast %add3A_298 : i32 to index
          %get3A_353 = arith.index_cast %add3A_351 : i32 to index
          %get3A_354 = tpu.vector_load %arg9[%get3A_352, %get3A_353] {strides = array<i32>} : memref<16x768xf32, #tpu.memory_space<vmem>>, vector<1x16xf32>,
          %get3A_355 = vector.shape_cast %get3A_354 : vector<1x16xf32> to vector<16xf32>
          %add3A_356 = arith.constant 0 : i32
          %add3A_357 = arith.addi %add3A_308, %add3A_356 : i32
          %swap3A = arith.index_cast %add3A_298 : i32 to index
          %swap3A_358 = arith.index_cast %add3A_357 : i32 to index
          %swap3A_359 = tpu.vector_load %arg13[%swap3A, %swap3A_358] {strides = array<i32>} : memref<16x768xf32, #tpu.memory_space<vmem>>, vector<1x16xf32>,
          %swap3A_360 = vector.shape_cast %swap3A_359 : vector<1x16xf32> to vector<16xf32>
          %swap3A_361 = vector.shape_cast %get3A_313 : vector<16xf32> to vector<1x16xf32>
          tpu.vector_store %arg13[%swap3A, %swap3A_358], %swap3A_361 {add = true, strides = array<i32>} : memref<16x768xf32, #tpu.memory_space<vmem>>, vector<1x16xf32>,
          %add3A_362 = arith.constant 16 : i32
          %add3A_363 = arith.addi %add3A_308, %add3A_362 : i32
          %swap3A_364 = arith.index_cast %add3A_298 : i32 to index
          %swap3A_365 = arith.index_cast %add3A_363 : i32 to index
          %swap3A_366 = tpu.vector_load %arg13[%swap3A_364, %swap3A_365] {strides = array<i32>} : memref<16x768xf32, #tpu.memory_space<vmem>>, vector<1x16xf32>,
          %swap3A_367 = vector.shape_cast %swap3A_366 : vector<1x16xf32> to vector<16xf32>
          %swap3A_368 = vector.shape_cast %get3A_319 : vector<16xf32> to vector<1x16xf32>
          tpu.vector_store %arg13[%swap3A_364, %swap3A_365], %swap3A_368 {add = true, strides = array<i32>} : memref<16x768xf32, #tpu.memory_space<vmem>>, vector<1x16xf32>,
          %add3A_369 = arith.constant 32 : i32
          %add3A_370 = arith.addi %add3A_308, %add3A_369 : i32
          %swap3A_371 = arith.index_cast %add3A_298 : i32 to index
          %swap3A_372 = arith.index_cast %add3A_370 : i32 to index
          %swap3A_373 = tpu.vector_load %arg13[%swap3A_371, %swap3A_372] {strides = array<i32>} : memref<16x768xf32, #tpu.memory_space<vmem>>, vector<1x16xf32>,
          %swap3A_374 = vector.shape_cast %swap3A_373 : vector<1x16xf32> to vector<16xf32>
          %swap3A_375 = vector.shape_cast %get3A_325 : vector<16xf32> to vector<1x16xf32>
          tpu.vector_store %arg13[%swap3A_371, %swap3A_372], %swap3A_375 {add = true, strides = array<i32>} : memref<16x768xf32, #tpu.memory_space<vmem>>, vector<1x16xf32>,
          %add3A_376 = arith.constant 48 : i32
          %add3A_377 = arith.addi %add3A_308, %add3A_376 : i32
          %swap3A_378 = arith.index_cast %add3A_298 : i32 to index
          %swap3A_379 = arith.index_cast %add3A_377 : i32 to index
          %swap3A_380 = tpu.vector_load %arg13[%swap3A_378, %swap3A_379] {strides = array<i32>} : memref<16x768xf32, #tpu.memory_space<vmem>>, vector<1x16xf32>,
          %swap3A_381 = vector.shape_cast %swap3A_380 : vector<1x16xf32> to vector<16xf32>
          %swap3A_382 = vector.shape_cast %get3A_331 : vector<16xf32> to vector<1x16xf32>
          tpu.vector_store %arg13[%swap3A_378, %swap3A_379], %swap3A_382 {add = true, strides = array<i32>} : memref<16x768xf32, #tpu.memory_space<vmem>>, vector<1x16xf32>,
          %add3A_383 = arith.constant 64 : i32
          %add3A_384 = arith.addi %add3A_308, %add3A_383 : i32
          %swap3A_385 = arith.index_cast %add3A_298 : i32 to index
          %swap3A_386 = arith.index_cast %add3A_384 : i32 to index
          %swap3A_387 = tpu.vector_load %arg13[%swap3A_385, %swap3A_386] {strides = array<i32>} : memref<16x768xf32, #tpu.memory_space<vmem>>, vector<1x16xf32>,
          %swap3A_388 = vector.shape_cast %swap3A_387 : vector<1x16xf32> to vector<16xf32>
          %swap3A_389 = vector.shape_cast %get3A_337 : vector<16xf32> to vector<1x16xf32>
          tpu.vector_store %arg13[%swap3A_385, %swap3A_386], %swap3A_389 {add = true, strides = array<i32>} : memref<16x768xf32, #tpu.memory_space<vmem>>, vector<1x16xf32>,
          %add3A_390 = arith.constant 80 : i32
          %add3A_391 = arith.addi %add3A_308, %add3A_390 : i32
          %swap3A_392 = arith.index_cast %add3A_298 : i32 to index
          %swap3A_393 = arith.index_cast %add3A_391 : i32 to index
          %swap3A_394 = tpu.vector_load %arg13[%swap3A_392, %swap3A_393] {strides = array<i32>} : memref<16x768xf32, #tpu.memory_space<vmem>>, vector<1x16xf32>,
          %swap3A_395 = vector.shape_cast %swap3A_394 : vector<1x16xf32> to vector<16xf32>
          %swap3A_396 = vector.shape_cast %get3A_343 : vector<16xf32> to vector<1x16xf32>
          tpu.vector_store %arg13[%swap3A_392, %swap3A_393], %swap3A_396 {add = true, strides = array<i32>} : memref<16x768xf32, #tpu.memory_space<vmem>>, vector<1x16xf32>,
          %add3A_397 = arith.constant 96 : i32
          %add3A_398 = arith.addi %add3A_308, %add3A_397 : i32
          %swap3A_399 = arith.index_cast %add3A_298 : i32 to index
          %swap3A_400 = arith.index_cast %add3A_398 : i32 to index
          %swap3A_401 = tpu.vector_load %arg13[%swap3A_399, %swap3A_400] {strides = array<i32>} : memref<16x768xf32, #tpu.memory_space<vmem>>, vector<1x16xf32>,
          %swap3A_402 = vector.shape_cast %swap3A_401 : vector<1x16xf32> to vector<16xf32>
          %swap3A_403 = vector.shape_cast %get3A_349 : vector<16xf32> to vector<1x16xf32>
          tpu.vector_store %arg13[%swap3A_399, %swap3A_400], %swap3A_403 {add = true, strides = array<i32>} : memref<16x768xf32, #tpu.memory_space<vmem>>, vector<1x16xf32>,
          %add3A_404 = arith.constant 112 : i32
          %add3A_405 = arith.addi %add3A_308, %add3A_404 : i32
          %swap3A_406 = arith.index_cast %add3A_298 : i32 to index
          %swap3A_407 = arith.index_cast %add3A_405 : i32 to index
          %swap3A_408 = tpu.vector_load %arg13[%swap3A_406, %swap3A_407] {strides = array<i32>} : memref<16x768xf32, #tpu.memory_space<vmem>>, vector<1x16xf32>,
          %swap3A_409 = vector.shape_cast %swap3A_408 : vector<1x16xf32> to vector<16xf32>
          %swap3A_410 = vector.shape_cast %get3A_355 : vector<16xf32> to vector<1x16xf32>
          tpu.vector_store %arg13[%swap3A_406, %swap3A_407], %swap3A_410 {add = true, strides = array<i32>} : memref<16x768xf32, #tpu.memory_space<vmem>>, vector<1x16xf32>,
        }
        %scan3A_303 = arith.constant 6 : i32
      }
      %scan3A_226 = arith.constant 16 : i32
      %mul3A_227 = arith.constant 16 : i32
      %mul3A_228 = arith.muli %add3A_195, %mul3A_227 : i32
      %add3A_229 = arith.addi %mul3A_2, %mul3A_228 : i32
      %dma_start3A_230 = arith.constant 2 : i32
      %dma_start3A_231 = arith.constant 0 : i32
      %dma_start3A_232 = tpu.memref_slice %arg5[%add3A_229, %dma_start3A_231] : memref<32768x768xf32, #tpu.memory_space<hbm>> -> memref<16x768xf32, #tpu.memory_space<hbm>>
      %dma_start3A_233 = tpu.memref_slice %arg17[%dma_start3A_230] : memref<4x!tpu.dma_semaphore, #tpu.memory_space<semaphore_mem>> -> memref<1x!tpu.dma_semaphore, #tpu.memory_space<semaphore_mem>>
      %dma_start3A_234 = tpu.memref_squeeze %dma_start3A_233 : memref<1x!tpu.dma_semaphore, #tpu.memory_space<semaphore_mem>> -> memref<!tpu.dma_semaphore, #tpu.memory_space<semaphore_mem>>
      %dma_start3A_235 = arith.constant 0 : i32
      %dma_start3A_236 = tpu.memref_slice %arg5[%add3A_229, %dma_start3A_235] : memref<32768x768xf32, #tpu.memory_space<hbm>> -> memref<16x768xf32, #tpu.memory_space<hbm>>
      tpu.enqueue_dma source(%arg13 : memref<16x768xf32, #tpu.memory_space<vmem>>) target(%dma_start3A_236 : memref<16x768xf32, #tpu.memory_space<hbm>>) target_semaphore(%dma_start3A_234 : memref<!tpu.dma_semaphore, #tpu.memory_space<semaphore_mem>>)
      %add3A_237 = arith.constant 3 : i32
      %add3A_238 = arith.addi %add3A_195, %add3A_237 : i32
      %lt3A_239 = arith.constant 64 : i32
      %lt3A_240 = arith.cmpi slt, %add3A_238, %lt3A_239 : i32
      %convert_element_type3A_241 = arith.extui %lt3A_240 : i1 to i32
      %cond3A_242 = arith.constant 0 : i32
      %cond3A_243 = arith.cmpi ne, %convert_element_type3A_241, %cond3A_242 : i32
      scf.if %cond3A_243 {
        %ge3A = arith.constant 1 : i32
        %ge3A_294 = arith.cmpi sge, %add3A_195, %ge3A : i32
        %convert_element_type3A_295 = arith.extui %ge3A_294 : i1 to i32
        %cond3A_296 = arith.constant 0 : i32
        %cond3A_297 = arith.cmpi ne, %convert_element_type3A_295, %cond3A_296 : i32
        scf.if %cond3A_297 {
          %sub3A = arith.constant 1 : i32
          %sub3A_310 = arith.subi %add3A_195, %sub3A : i32
          %mul3A_311 = arith.constant 16 : i32
          %mul3A_312 = arith.muli %sub3A_310, %mul3A_311 : i32
          %add3A_313 = arith.addi %mul3A_2, %mul3A_312 : i32
          %dma_wait3A_314 = arith.constant 1 : i32
          %dma_wait3A_315 = arith.constant 0 : i32
          %dma_wait3A_316 = tpu.memref_slice %arg5[%add3A_313, %dma_wait3A_315] : memref<32768x768xf32, #tpu.memory_space<hbm>> -> memref<16x768xf32, #tpu.memory_space<hbm>>
          %dma_wait3A_317 = tpu.memref_slice %arg17[%dma_wait3A_314] : memref<4x!tpu.dma_semaphore, #tpu.memory_space<semaphore_mem>> -> memref<1x!tpu.dma_semaphore, #tpu.memory_space<semaphore_mem>>
          %dma_wait3A_318 = tpu.memref_squeeze %dma_wait3A_317 : memref<1x!tpu.dma_semaphore, #tpu.memory_space<semaphore_mem>> -> memref<!tpu.dma_semaphore, #tpu.memory_space<semaphore_mem>>
          %dma_wait3A_319 = arith.constant 0 : i32
          %dma_wait3A_320 = tpu.memref_slice %arg5[%add3A_313, %dma_wait3A_319] : memref<32768x768xf32, #tpu.memory_space<hbm>> -> memref<16x768xf32, #tpu.memory_space<hbm>>
          tpu.wait_dma2 semaphore(%dma_wait3A_318 : memref<!tpu.dma_semaphore, #tpu.memory_space<semaphore_mem>>) src(%arg12 : memref<16x768xf32, #tpu.memory_space<vmem>>) dst(%dma_wait3A_320 : memref<16x768xf32, #tpu.memory_space<hbm>>)
        } else {
        }
        %add3A_298 = arith.constant 3 : i32
        %add3A_299 = arith.addi %add3A_195, %add3A_298 : i32
        %mul3A_300 = arith.constant 16 : i32
        %mul3A_301 = arith.muli %add3A_299, %mul3A_300 : i32
        %add3A_302 = arith.addi %mul3A_2, %mul3A_301 : i32
        %dma_start3A_303 = arith.constant 1 : i32
        %dma_start3A_304 = arith.constant 0 : i32
        %dma_start3A_305 = tpu.memref_slice %arg2[%add3A_302, %dma_start3A_304] : memref<32768x768xf32, #tpu.memory_space<hbm>> -> memref<16x768xf32, #tpu.memory_space<hbm>>
        %dma_start3A_306 = tpu.memref_slice %arg16[%dma_start3A_303] : memref<4x!tpu.dma_semaphore, #tpu.memory_space<semaphore_mem>> -> memref<1x!tpu.dma_semaphore, #tpu.memory_space<semaphore_mem>>
        %dma_start3A_307 = tpu.memref_squeeze %dma_start3A_306 : memref<1x!tpu.dma_semaphore, #tpu.memory_space<semaphore_mem>> -> memref<!tpu.dma_semaphore, #tpu.memory_space<semaphore_mem>>
        %dma_start3A_308 = arith.constant 0 : i32
        %dma_start3A_309 = tpu.memref_slice %arg2[%add3A_302, %dma_start3A_308] : memref<32768x768xf32, #tpu.memory_space<hbm>> -> memref<16x768xf32, #tpu.memory_space<hbm>>
        tpu.enqueue_dma source(%dma_start3A_309 : memref<16x768xf32, #tpu.memory_space<hbm>>) target(%arg12 : memref<16x768xf32, #tpu.memory_space<vmem>>) target_semaphore(%dma_start3A_307 : memref<!tpu.dma_semaphore, #tpu.memory_space<semaphore_mem>>)
      } else {
      }
      %add3A_244 = arith.constant 3 : i32
      %add3A_245 = arith.addi %add3A_96, %add3A_244 : i32
      %add3A_246 = arith.constant 3 : i32
      %add3A_247 = arith.addi %add3A_245, %add3A_246 : i32
      %lt3A_248 = arith.constant 64 : i32
      %lt3A_249 = arith.cmpi slt, %add3A_247, %lt3A_248 : i32
      %convert_element_type3A_250 = arith.extui %lt3A_249 : i1 to i32
      %cond3A_251 = arith.constant 0 : i32
      %cond3A_252 = arith.cmpi ne, %convert_element_type3A_250, %cond3A_251 : i32
      scf.if %cond3A_252 {
        %add3A_294 = arith.constant 3 : i32
        %add3A_295 = arith.addi %add3A_245, %add3A_294 : i32
        %mul3A_296 = arith.constant 16 : i32
        %mul3A_297 = arith.muli %add3A_295, %mul3A_296 : i32
        %dma_start3A_298 = arith.constant 2 : i32
        %dma_start3A_299 = tpu.memref_slice %arg6[%mul3A_297] : memref<1024xi32, #tpu.memory_space<vmem>> -> memref<16xi32, #tpu.memory_space<vmem>>
        %dma_start3A_300 = arith.constant 0 : i32
        %dma_start3A_301 = arith.constant 0 : i32
        %dma_start3A_302 = tpu.memref_slice %arg4[%dma_start3A_300, %dma_start3A_301] : memref<8192x768xf32, #tpu.memory_space<hbm>> -> memref<8192x768xf32, #tpu.memory_space<hbm>>
        %dma_start3A_303 = tpu.memref_slice %arg15[%dma_start3A_298] : memref<4x!tpu.dma_semaphore, #tpu.memory_space<semaphore_mem>> -> memref<1x!tpu.dma_semaphore, #tpu.memory_space<semaphore_mem>>
        %dma_start3A_304 = tpu.memref_squeeze %dma_start3A_303 : memref<1x!tpu.dma_semaphore, #tpu.memory_space<semaphore_mem>> -> memref<!tpu.dma_semaphore, #tpu.memory_space<semaphore_mem>>
        tpu.enqueue_indirect_dma source(%dma_start3A_302 : memref<8192x768xf32, #tpu.memory_space<hbm>>) target(%arg9 : memref<16x768xf32, #tpu.memory_space<vmem>>) offsets(%dma_start3A_299 : memref<16xi32, #tpu.memory_space<vmem>>) semaphore(%dma_start3A_304 : memref<!tpu.dma_semaphore, #tpu.memory_space<semaphore_mem>>)
      } else {
      }
      %mul3A_253 = arith.constant 16 : i32
      %mul3A_254 = arith.muli %add3A_245, %mul3A_253 : i32
      %dma_wait3A_255 = arith.constant 3 : i32
      %dma_wait3A_256 = tpu.memref_slice %arg6[%mul3A_254] : memref<1024xi32, #tpu.memory_space<vmem>> -> memref<16xi32, #tpu.memory_space<vmem>>
      %dma_wait3A_257 = arith.constant 0 : i32
      %dma_wait3A_258 = arith.constant 0 : i32
      %dma_wait3A_259 = tpu.memref_slice %arg4[%dma_wait3A_257, %dma_wait3A_258] : memref<8192x768xf32, #tpu.memory_space<hbm>> -> memref<8192x768xf32, #tpu.memory_space<hbm>>
      %dma_wait3A_260 = tpu.memref_slice %arg15[%dma_wait3A_255] : memref<4x!tpu.dma_semaphore, #tpu.memory_space<semaphore_mem>> -> memref<1x!tpu.dma_semaphore, #tpu.memory_space<semaphore_mem>>
      %dma_wait3A_261 = tpu.memref_squeeze %dma_wait3A_260 : memref<1x!tpu.dma_semaphore, #tpu.memory_space<semaphore_mem>> -> memref<!tpu.dma_semaphore, #tpu.memory_space<semaphore_mem>>
      tpu.wait_indirect_dma semaphore(%dma_wait3A_261 : memref<!tpu.dma_semaphore, #tpu.memory_space<semaphore_mem>>) src(%dma_wait3A_259 : memref<8192x768xf32, #tpu.memory_space<hbm>>) dst(%arg10 : memref<16x768xf32, #tpu.memory_space<vmem>>)
      %mul3A_262 = arith.constant 16 : i32
      %mul3A_263 = arith.muli %add3A_245, %mul3A_262 : i32
      %add3A_264 = arith.addi %mul3A_2, %mul3A_263 : i32
      %dma_wait3A_265 = arith.constant 3 : i32
      %dma_wait3A_266 = arith.constant 0 : i32
      %dma_wait3A_267 = tpu.memref_slice %arg2[%add3A_264, %dma_wait3A_266] : memref<32768x768xf32, #tpu.memory_space<hbm>> -> memref<16x768xf32, #tpu.memory_space<hbm>>
      %dma_wait3A_268 = tpu.memref_slice %arg16[%dma_wait3A_265] : memref<4x!tpu.dma_semaphore, #tpu.memory_space<semaphore_mem>> -> memref<1x!tpu.dma_semaphore, #tpu.memory_space<semaphore_mem>>
      %dma_wait3A_269 = tpu.memref_squeeze %dma_wait3A_268 : memref<1x!tpu.dma_semaphore, #tpu.memory_space<semaphore_mem>> -> memref<!tpu.dma_semaphore, #tpu.memory_space<semaphore_mem>>
      %dma_wait3A_270 = arith.constant 0 : i32
      %dma_wait3A_271 = tpu.memref_slice %arg2[%add3A_264, %dma_wait3A_270] : memref<32768x768xf32, #tpu.memory_space<hbm>> -> memref<16x768xf32, #tpu.memory_space<hbm>>
      tpu.wait_dma2 semaphore(%dma_wait3A_269 : memref<!tpu.dma_semaphore, #tpu.memory_space<semaphore_mem>>) src(%dma_wait3A_271 : memref<16x768xf32, #tpu.memory_space<hbm>>) dst(%arg14 : memref<16x768xf32, #tpu.memory_space<vmem>>)
      %scan3A_272 = arith.constant 0 : i32
      %scan3A_273 = arith.constant 16 : i32
      %scan3A_274 = arith.addi %scan3A_272, %scan3A_273 : i32
      %scan3A_275 = arith.constant 1 : i32
      scf.for %scan3A_294 = %scan3A_272 to %scan3A_274 step %scan3A_275  : i32 {
        %mul3A_295 = arith.constant 1 : i32
        %mul3A_296 = arith.muli %scan3A_294, %mul3A_295 : i32
        %add3A_297 = arith.constant 0 : i32
        %add3A_298 = arith.addi %add3A_297, %mul3A_296 : i32
        %scan3A_299 = arith.constant 0 : i32
        %scan3A_300 = arith.constant 6 : i32
        %scan3A_301 = arith.addi %scan3A_299, %scan3A_300 : i32
        %scan3A_302 = arith.constant 1 : i32
        scf.for %scan3A_304 = %scan3A_299 to %scan3A_301 step %scan3A_302  : i32 {
          %mul3A_305 = arith.constant 128 : i32
          %mul3A_306 = arith.muli %scan3A_304, %mul3A_305 : i32
          %add3A_307 = arith.constant 0 : i32
          %add3A_308 = arith.addi %add3A_307, %mul3A_306 : i32
          %add3A_309 = arith.constant 0 : i32
          %add3A_310 = arith.addi %add3A_308, %add3A_309 : i32
          %get3A = arith.index_cast %add3A_298 : i32 to index
          %get3A_311 = arith.index_cast %add3A_310 : i32 to index
          %get3A_312 = tpu.vector_load %arg10[%get3A, %get3A_311] {strides = array<i32>} : memref<16x768xf32, #tpu.memory_space<vmem>>, vector<1x16xf32>,
          %get3A_313 = vector.shape_cast %get3A_312 : vector<1x16xf32> to vector<16xf32>
          %add3A_314 = arith.constant 16 : i32
          %add3A_315 = arith.addi %add3A_308, %add3A_314 : i32
          %get3A_316 = arith.index_cast %add3A_298 : i32 to index
          %get3A_317 = arith.index_cast %add3A_315 : i32 to index
          %get3A_318 = tpu.vector_load %arg10[%get3A_316, %get3A_317] {strides = array<i32>} : memref<16x768xf32, #tpu.memory_space<vmem>>, vector<1x16xf32>,
          %get3A_319 = vector.shape_cast %get3A_318 : vector<1x16xf32> to vector<16xf32>
          %add3A_320 = arith.constant 32 : i32
          %add3A_321 = arith.addi %add3A_308, %add3A_320 : i32
          %get3A_322 = arith.index_cast %add3A_298 : i32 to index
          %get3A_323 = arith.index_cast %add3A_321 : i32 to index
          %get3A_324 = tpu.vector_load %arg10[%get3A_322, %get3A_323] {strides = array<i32>} : memref<16x768xf32, #tpu.memory_space<vmem>>, vector<1x16xf32>,
          %get3A_325 = vector.shape_cast %get3A_324 : vector<1x16xf32> to vector<16xf32>
          %add3A_326 = arith.constant 48 : i32
          %add3A_327 = arith.addi %add3A_308, %add3A_326 : i32
          %get3A_328 = arith.index_cast %add3A_298 : i32 to index
          %get3A_329 = arith.index_cast %add3A_327 : i32 to index
          %get3A_330 = tpu.vector_load %arg10[%get3A_328, %get3A_329] {strides = array<i32>} : memref<16x768xf32, #tpu.memory_space<vmem>>, vector<1x16xf32>,
          %get3A_331 = vector.shape_cast %get3A_330 : vector<1x16xf32> to vector<16xf32>
          %add3A_332 = arith.constant 64 : i32
          %add3A_333 = arith.addi %add3A_308, %add3A_332 : i32
          %get3A_334 = arith.index_cast %add3A_298 : i32 to index
          %get3A_335 = arith.index_cast %add3A_333 : i32 to index
          %get3A_336 = tpu.vector_load %arg10[%get3A_334, %get3A_335] {strides = array<i32>} : memref<16x768xf32, #tpu.memory_space<vmem>>, vector<1x16xf32>,
          %get3A_337 = vector.shape_cast %get3A_336 : vector<1x16xf32> to vector<16xf32>
          %add3A_338 = arith.constant 80 : i32
          %add3A_339 = arith.addi %add3A_308, %add3A_338 : i32
          %get3A_340 = arith.index_cast %add3A_298 : i32 to index
          %get3A_341 = arith.index_cast %add3A_339 : i32 to index
          %get3A_342 = tpu.vector_load %arg10[%get3A_340, %get3A_341] {strides = array<i32>} : memref<16x768xf32, #tpu.memory_space<vmem>>, vector<1x16xf32>,
          %get3A_343 = vector.shape_cast %get3A_342 : vector<1x16xf32> to vector<16xf32>
          %add3A_344 = arith.constant 96 : i32
          %add3A_345 = arith.addi %add3A_308, %add3A_344 : i32
          %get3A_346 = arith.index_cast %add3A_298 : i32 to index
          %get3A_347 = arith.index_cast %add3A_345 : i32 to index
          %get3A_348 = tpu.vector_load %arg10[%get3A_346, %get3A_347] {strides = array<i32>} : memref<16x768xf32, #tpu.memory_space<vmem>>, vector<1x16xf32>,
          %get3A_349 = vector.shape_cast %get3A_348 : vector<1x16xf32> to vector<16xf32>
          %add3A_350 = arith.constant 112 : i32
          %add3A_351 = arith.addi %add3A_308, %add3A_350 : i32
          %get3A_352 = arith.index_cast %add3A_298 : i32 to index
          %get3A_353 = arith.index_cast %add3A_351 : i32 to index
          %get3A_354 = tpu.vector_load %arg10[%get3A_352, %get3A_353] {strides = array<i32>} : memref<16x768xf32, #tpu.memory_space<vmem>>, vector<1x16xf32>,
          %get3A_355 = vector.shape_cast %get3A_354 : vector<1x16xf32> to vector<16xf32>
          %add3A_356 = arith.constant 0 : i32
          %add3A_357 = arith.addi %add3A_308, %add3A_356 : i32
          %swap3A = arith.index_cast %add3A_298 : i32 to index
          %swap3A_358 = arith.index_cast %add3A_357 : i32 to index
          %swap3A_359 = tpu.vector_load %arg14[%swap3A, %swap3A_358] {strides = array<i32>} : memref<16x768xf32, #tpu.memory_space<vmem>>, vector<1x16xf32>,
          %swap3A_360 = vector.shape_cast %swap3A_359 : vector<1x16xf32> to vector<16xf32>
          %swap3A_361 = vector.shape_cast %get3A_313 : vector<16xf32> to vector<1x16xf32>
          tpu.vector_store %arg14[%swap3A, %swap3A_358], %swap3A_361 {add = true, strides = array<i32>} : memref<16x768xf32, #tpu.memory_space<vmem>>, vector<1x16xf32>,
          %add3A_362 = arith.constant 16 : i32
          %add3A_363 = arith.addi %add3A_308, %add3A_362 : i32
          %swap3A_364 = arith.index_cast %add3A_298 : i32 to index
          %swap3A_365 = arith.index_cast %add3A_363 : i32 to index
          %swap3A_366 = tpu.vector_load %arg14[%swap3A_364, %swap3A_365] {strides = array<i32>} : memref<16x768xf32, #tpu.memory_space<vmem>>, vector<1x16xf32>,
          %swap3A_367 = vector.shape_cast %swap3A_366 : vector<1x16xf32> to vector<16xf32>
          %swap3A_368 = vector.shape_cast %get3A_319 : vector<16xf32> to vector<1x16xf32>
          tpu.vector_store %arg14[%swap3A_364, %swap3A_365], %swap3A_368 {add = true, strides = array<i32>} : memref<16x768xf32, #tpu.memory_space<vmem>>, vector<1x16xf32>,
          %add3A_369 = arith.constant 32 : i32
          %add3A_370 = arith.addi %add3A_308, %add3A_369 : i32
          %swap3A_371 = arith.index_cast %add3A_298 : i32 to index
          %swap3A_372 = arith.index_cast %add3A_370 : i32 to index
          %swap3A_373 = tpu.vector_load %arg14[%swap3A_371, %swap3A_372] {strides = array<i32>} : memref<16x768xf32, #tpu.memory_space<vmem>>, vector<1x16xf32>,
          %swap3A_374 = vector.shape_cast %swap3A_373 : vector<1x16xf32> to vector<16xf32>
          %swap3A_375 = vector.shape_cast %get3A_325 : vector<16xf32> to vector<1x16xf32>
          tpu.vector_store %arg14[%swap3A_371, %swap3A_372], %swap3A_375 {add = true, strides = array<i32>} : memref<16x768xf32, #tpu.memory_space<vmem>>, vector<1x16xf32>,
          %add3A_376 = arith.constant 48 : i32
          %add3A_377 = arith.addi %add3A_308, %add3A_376 : i32
          %swap3A_378 = arith.index_cast %add3A_298 : i32 to index
          %swap3A_379 = arith.index_cast %add3A_377 : i32 to index
          %swap3A_380 = tpu.vector_load %arg14[%swap3A_378, %swap3A_379] {strides = array<i32>} : memref<16x768xf32, #tpu.memory_space<vmem>>, vector<1x16xf32>,
          %swap3A_381 = vector.shape_cast %swap3A_380 : vector<1x16xf32> to vector<16xf32>
          %swap3A_382 = vector.shape_cast %get3A_331 : vector<16xf32> to vector<1x16xf32>
          tpu.vector_store %arg14[%swap3A_378, %swap3A_379], %swap3A_382 {add = true, strides = array<i32>} : memref<16x768xf32, #tpu.memory_space<vmem>>, vector<1x16xf32>,
          %add3A_383 = arith.constant 64 : i32
          %add3A_384 = arith.addi %add3A_308, %add3A_383 : i32
          %swap3A_385 = arith.index_cast %add3A_298 : i32 to index
          %swap3A_386 = arith.index_cast %add3A_384 : i32 to index
          %swap3A_387 = tpu.vector_load %arg14[%swap3A_385, %swap3A_386] {strides = array<i32>} : memref<16x768xf32, #tpu.memory_space<vmem>>, vector<1x16xf32>,
          %swap3A_388 = vector.shape_cast %swap3A_387 : vector<1x16xf32> to vector<16xf32>
          %swap3A_389 = vector.shape_cast %get3A_337 : vector<16xf32> to vector<1x16xf32>
          tpu.vector_store %arg14[%swap3A_385, %swap3A_386], %swap3A_389 {add = true, strides = array<i32>} : memref<16x768xf32, #tpu.memory_space<vmem>>, vector<1x16xf32>,
          %add3A_390 = arith.constant 80 : i32
          %add3A_391 = arith.addi %add3A_308, %add3A_390 : i32
          %swap3A_392 = arith.index_cast %add3A_298 : i32 to index
          %swap3A_393 = arith.index_cast %add3A_391 : i32 to index
          %swap3A_394 = tpu.vector_load %arg14[%swap3A_392, %swap3A_393] {strides = array<i32>} : memref<16x768xf32, #tpu.memory_space<vmem>>, vector<1x16xf32>,
          %swap3A_395 = vector.shape_cast %swap3A_394 : vector<1x16xf32> to vector<16xf32>
          %swap3A_396 = vector.shape_cast %get3A_343 : vector<16xf32> to vector<1x16xf32>
          tpu.vector_store %arg14[%swap3A_392, %swap3A_393], %swap3A_396 {add = true, strides = array<i32>} : memref<16x768xf32, #tpu.memory_space<vmem>>, vector<1x16xf32>,
          %add3A_397 = arith.constant 96 : i32
          %add3A_398 = arith.addi %add3A_308, %add3A_397 : i32
          %swap3A_399 = arith.index_cast %add3A_298 : i32 to index
          %swap3A_400 = arith.index_cast %add3A_398 : i32 to index
          %swap3A_401 = tpu.vector_load %arg14[%swap3A_399, %swap3A_400] {strides = array<i32>} : memref<16x768xf32, #tpu.memory_space<vmem>>, vector<1x16xf32>,
          %swap3A_402 = vector.shape_cast %swap3A_401 : vector<1x16xf32> to vector<16xf32>
          %swap3A_403 = vector.shape_cast %get3A_349 : vector<16xf32> to vector<1x16xf32>
          tpu.vector_store %arg14[%swap3A_399, %swap3A_400], %swap3A_403 {add = true, strides = array<i32>} : memref<16x768xf32, #tpu.memory_space<vmem>>, vector<1x16xf32>,
          %add3A_404 = arith.constant 112 : i32
          %add3A_405 = arith.addi %add3A_308, %add3A_404 : i32
          %swap3A_406 = arith.index_cast %add3A_298 : i32 to index
          %swap3A_407 = arith.index_cast %add3A_405 : i32 to index
          %swap3A_408 = tpu.vector_load %arg14[%swap3A_406, %swap3A_407] {strides = array<i32>} : memref<16x768xf32, #tpu.memory_space<vmem>>, vector<1x16xf32>,
          %swap3A_409 = vector.shape_cast %swap3A_408 : vector<1x16xf32> to vector<16xf32>
          %swap3A_410 = vector.shape_cast %get3A_355 : vector<16xf32> to vector<1x16xf32>
          tpu.vector_store %arg14[%swap3A_406, %swap3A_407], %swap3A_410 {add = true, strides = array<i32>} : memref<16x768xf32, #tpu.memory_space<vmem>>, vector<1x16xf32>,
        }
        %scan3A_303 = arith.constant 6 : i32
      }
      %scan3A_276 = arith.constant 16 : i32
      %mul3A_277 = arith.constant 16 : i32
      %mul3A_278 = arith.muli %add3A_245, %mul3A_277 : i32
      %add3A_279 = arith.addi %mul3A_2, %mul3A_278 : i32
      %dma_start3A_280 = arith.constant 3 : i32
      %dma_start3A_281 = arith.constant 0 : i32
      %dma_start3A_282 = tpu.memref_slice %arg5[%add3A_279, %dma_start3A_281] : memref<32768x768xf32, #tpu.memory_space<hbm>> -> memref<16x768xf32, #tpu.memory_space<hbm>>
      %dma_start3A_283 = tpu.memref_slice %arg17[%dma_start3A_280] : memref<4x!tpu.dma_semaphore, #tpu.memory_space<semaphore_mem>> -> memref<1x!tpu.dma_semaphore, #tpu.memory_space<semaphore_mem>>
      %dma_start3A_284 = tpu.memref_squeeze %dma_start3A_283 : memref<1x!tpu.dma_semaphore, #tpu.memory_space<semaphore_mem>> -> memref<!tpu.dma_semaphore, #tpu.memory_space<semaphore_mem>>
      %dma_start3A_285 = arith.constant 0 : i32
      %dma_start3A_286 = tpu.memref_slice %arg5[%add3A_279, %dma_start3A_285] : memref<32768x768xf32, #tpu.memory_space<hbm>> -> memref<16x768xf32, #tpu.memory_space<hbm>>
      tpu.enqueue_dma source(%arg14 : memref<16x768xf32, #tpu.memory_space<vmem>>) target(%dma_start3A_286 : memref<16x768xf32, #tpu.memory_space<hbm>>) target_semaphore(%dma_start3A_284 : memref<!tpu.dma_semaphore, #tpu.memory_space<semaphore_mem>>)
      %add3A_287 = arith.constant 3 : i32
      %add3A_288 = arith.addi %add3A_245, %add3A_287 : i32
      %lt3A_289 = arith.constant 64 : i32
      %lt3A_290 = arith.cmpi slt, %add3A_288, %lt3A_289 : i32
      %convert_element_type3A_291 = arith.extui %lt3A_290 : i1 to i32
      %cond3A_292 = arith.constant 0 : i32
      %cond3A_293 = arith.cmpi ne, %convert_element_type3A_291, %cond3A_292 : i32
      scf.if %cond3A_293 {
        %ge3A = arith.constant 1 : i32
        %ge3A_294 = arith.cmpi sge, %add3A_245, %ge3A : i32
        %convert_element_type3A_295 = arith.extui %ge3A_294 : i1 to i32
        %cond3A_296 = arith.constant 0 : i32
        %cond3A_297 = arith.cmpi ne, %convert_element_type3A_295, %cond3A_296 : i32
        scf.if %cond3A_297 {
          %sub3A = arith.constant 1 : i32
          %sub3A_310 = arith.subi %add3A_245, %sub3A : i32
          %mul3A_311 = arith.constant 16 : i32
          %mul3A_312 = arith.muli %sub3A_310, %mul3A_311 : i32
          %add3A_313 = arith.addi %mul3A_2, %mul3A_312 : i32
          %dma_wait3A_314 = arith.constant 2 : i32
          %dma_wait3A_315 = arith.constant 0 : i32
          %dma_wait3A_316 = tpu.memref_slice %arg5[%add3A_313, %dma_wait3A_315] : memref<32768x768xf32, #tpu.memory_space<hbm>> -> memref<16x768xf32, #tpu.memory_space<hbm>>
          %dma_wait3A_317 = tpu.memref_slice %arg17[%dma_wait3A_314] : memref<4x!tpu.dma_semaphore, #tpu.memory_space<semaphore_mem>> -> memref<1x!tpu.dma_semaphore, #tpu.memory_space<semaphore_mem>>
          %dma_wait3A_318 = tpu.memref_squeeze %dma_wait3A_317 : memref<1x!tpu.dma_semaphore, #tpu.memory_space<semaphore_mem>> -> memref<!tpu.dma_semaphore, #tpu.memory_space<semaphore_mem>>
          %dma_wait3A_319 = arith.constant 0 : i32
          %dma_wait3A_320 = tpu.memref_slice %arg5[%add3A_313, %dma_wait3A_319] : memref<32768x768xf32, #tpu.memory_space<hbm>> -> memref<16x768xf32, #tpu.memory_space<hbm>>
          tpu.wait_dma2 semaphore(%dma_wait3A_318 : memref<!tpu.dma_semaphore, #tpu.memory_space<semaphore_mem>>) src(%arg13 : memref<16x768xf32, #tpu.memory_space<vmem>>) dst(%dma_wait3A_320 : memref<16x768xf32, #tpu.memory_space<hbm>>)
        } else {
        }
        %add3A_298 = arith.constant 3 : i32
        %add3A_299 = arith.addi %add3A_245, %add3A_298 : i32
        %mul3A_300 = arith.constant 16 : i32
        %mul3A_301 = arith.muli %add3A_299, %mul3A_300 : i32
        %add3A_302 = arith.addi %mul3A_2, %mul3A_301 : i32
        %dma_start3A_303 = arith.constant 2 : i32
        %dma_start3A_304 = arith.constant 0 : i32
        %dma_start3A_305 = tpu.memref_slice %arg2[%add3A_302, %dma_start3A_304] : memref<32768x768xf32, #tpu.memory_space<hbm>> -> memref<16x768xf32, #tpu.memory_space<hbm>>
        %dma_start3A_306 = tpu.memref_slice %arg16[%dma_start3A_303] : memref<4x!tpu.dma_semaphore, #tpu.memory_space<semaphore_mem>> -> memref<1x!tpu.dma_semaphore, #tpu.memory_space<semaphore_mem>>
        %dma_start3A_307 = tpu.memref_squeeze %dma_start3A_306 : memref<1x!tpu.dma_semaphore, #tpu.memory_space<semaphore_mem>> -> memref<!tpu.dma_semaphore, #tpu.memory_space<semaphore_mem>>
        %dma_start3A_308 = arith.constant 0 : i32
        %dma_start3A_309 = tpu.memref_slice %arg2[%add3A_302, %dma_start3A_308] : memref<32768x768xf32, #tpu.memory_space<hbm>> -> memref<16x768xf32, #tpu.memory_space<hbm>>
        tpu.enqueue_dma source(%dma_start3A_309 : memref<16x768xf32, #tpu.memory_space<hbm>>) target(%arg13 : memref<16x768xf32, #tpu.memory_space<vmem>>) target_semaphore(%dma_start3A_307 : memref<!tpu.dma_semaphore, #tpu.memory_space<semaphore_mem>>)
      } else {
      }
    }
    %scan3A_56 = arith.constant 16 : i32
    %add3A_57 = arith.constant 1008 : i32
    %add3A_58 = arith.addi %mul3A_2, %add3A_57 : i32
    %dma_wait3A = arith.constant 3 : i32
    %dma_wait3A_59 = arith.constant 0 : i32
    %dma_wait3A_60 = tpu.memref_slice %arg5[%add3A_58, %dma_wait3A_59] : memref<32768x768xf32, #tpu.memory_space<hbm>> -> memref<16x768xf32, #tpu.memory_space<hbm>>
    %dma_wait3A_61 = tpu.memref_slice %arg17[%dma_wait3A] : memref<4x!tpu.dma_semaphore, #tpu.memory_space<semaphore_mem>> -> memref<1x!tpu.dma_semaphore, #tpu.memory_space<semaphore_mem>>
    %dma_wait3A_62 = tpu.memref_squeeze %dma_wait3A_61 : memref<1x!tpu.dma_semaphore, #tpu.memory_space<semaphore_mem>> -> memref<!tpu.dma_semaphore, #tpu.memory_space<semaphore_mem>>
    %dma_wait3A_63 = arith.constant 0 : i32
    %dma_wait3A_64 = tpu.memref_slice %arg5[%add3A_58, %dma_wait3A_63] : memref<32768x768xf32, #tpu.memory_space<hbm>> -> memref<16x768xf32, #tpu.memory_space<hbm>>
    tpu.wait_dma2 semaphore(%dma_wait3A_62 : memref<!tpu.dma_semaphore, #tpu.memory_space<semaphore_mem>>) src(%arg14 : memref<16x768xf32, #tpu.memory_space<vmem>>) dst(%dma_wait3A_64 : memref<16x768xf32, #tpu.memory_space<hbm>>)
    %add3A_65 = arith.constant 992 : i32
    %add3A_66 = arith.addi %mul3A_2, %add3A_65 : i32
    %dma_wait3A_67 = arith.constant 2 : i32
    %dma_wait3A_68 = arith.constant 0 : i32
    %dma_wait3A_69 = tpu.memref_slice %arg5[%add3A_66, %dma_wait3A_68] : memref<32768x768xf32, #tpu.memory_space<hbm>> -> memref<16x768xf32, #tpu.memory_space<hbm>>
    %dma_wait3A_70 = tpu.memref_slice %arg17[%dma_wait3A_67] : memref<4x!tpu.dma_semaphore, #tpu.memory_space<semaphore_mem>> -> memref<1x!tpu.dma_semaphore, #tpu.memory_space<semaphore_mem>>
    %dma_wait3A_71 = tpu.memref_squeeze %dma_wait3A_70 : memref<1x!tpu.dma_semaphore, #tpu.memory_space<semaphore_mem>> -> memref<!tpu.dma_semaphore, #tpu.memory_space<semaphore_mem>>
    %dma_wait3A_72 = arith.constant 0 : i32
    %dma_wait3A_73 = tpu.memref_slice %arg5[%add3A_66, %dma_wait3A_72] : memref<32768x768xf32, #tpu.memory_space<hbm>> -> memref<16x768xf32, #tpu.memory_space<hbm>>
    tpu.wait_dma2 semaphore(%dma_wait3A_71 : memref<!tpu.dma_semaphore, #tpu.memory_space<semaphore_mem>>) src(%arg13 : memref<16x768xf32, #tpu.memory_space<vmem>>) dst(%dma_wait3A_73 : memref<16x768xf32, #tpu.memory_space<hbm>>)
    %add3A_74 = arith.constant 976 : i32
    %add3A_75 = arith.addi %mul3A_2, %add3A_74 : i32
    %dma_wait3A_76 = arith.constant 1 : i32
    %dma_wait3A_77 = arith.constant 0 : i32
    %dma_wait3A_78 = tpu.memref_slice %arg5[%add3A_75, %dma_wait3A_77] : memref<32768x768xf32, #tpu.memory_space<hbm>> -> memref<16x768xf32, #tpu.memory_space<hbm>>
    %dma_wait3A_79 = tpu.memref_slice %arg17[%dma_wait3A_76] : memref<4x!tpu.dma_semaphore, #tpu.memory_space<semaphore_mem>> -> memref<1x!tpu.dma_semaphore, #tpu.memory_space<semaphore_mem>>
    %dma_wait3A_80 = tpu.memref_squeeze %dma_wait3A_79 : memref<1x!tpu.dma_semaphore, #tpu.memory_space<semaphore_mem>> -> memref<!tpu.dma_semaphore, #tpu.memory_space<semaphore_mem>>
    %dma_wait3A_81 = arith.constant 0 : i32
    %dma_wait3A_82 = tpu.memref_slice %arg5[%add3A_75, %dma_wait3A_81] : memref<32768x768xf32, #tpu.memory_space<hbm>> -> memref<16x768xf32, #tpu.memory_space<hbm>>
    tpu.wait_dma2 semaphore(%dma_wait3A_80 : memref<!tpu.dma_semaphore, #tpu.memory_space<semaphore_mem>>) src(%arg12 : memref<16x768xf32, #tpu.memory_space<vmem>>) dst(%dma_wait3A_82 : memref<16x768xf32, #tpu.memory_space<hbm>>)
    %add3A_83 = arith.constant 960 : i32
    %add3A_84 = arith.addi %mul3A_2, %add3A_83 : i32
    %dma_wait3A_85 = arith.constant 0 : i32
    %dma_wait3A_86 = arith.constant 0 : i32
    %dma_wait3A_87 = tpu.memref_slice %arg5[%add3A_84, %dma_wait3A_86] : memref<32768x768xf32, #tpu.memory_space<hbm>> -> memref<16x768xf32, #tpu.memory_space<hbm>>
    %dma_wait3A_88 = tpu.memref_slice %arg17[%dma_wait3A_85] : memref<4x!tpu.dma_semaphore, #tpu.memory_space<semaphore_mem>> -> memref<1x!tpu.dma_semaphore, #tpu.memory_space<semaphore_mem>>
    %dma_wait3A_89 = tpu.memref_squeeze %dma_wait3A_88 : memref<1x!tpu.dma_semaphore, #tpu.memory_space<semaphore_mem>> -> memref<!tpu.dma_semaphore, #tpu.memory_space<semaphore_mem>>
    %dma_wait3A_90 = arith.constant 0 : i32
    %dma_wait3A_91 = tpu.memref_slice %arg5[%add3A_84, %dma_wait3A_90] : memref<32768x768xf32, #tpu.memory_space<hbm>> -> memref<16x768xf32, #tpu.memory_space<hbm>>
    tpu.wait_dma2 semaphore(%dma_wait3A_89 : memref<!tpu.dma_semaphore, #tpu.memory_space<semaphore_mem>>) src(%arg11 : memref<16x768xf32, #tpu.memory_space<vmem>>) dst(%dma_wait3A_91 : memref<16x768xf32, #tpu.memory_space<hbm>>)
    return
  }
}

</mosaic_0001>

<sc_bundles>
// kernel: _lookup_add.3.cloned.1.call-start
scs
__scs_entry_jumppad:
0x0: {  	(pc) =	sbr.rel $0x88, $3  }
0x1: {  	(tag) =	ssettag $0x0;
	lr =	simm.s32 $0x1  }
0x2: {  	[smem:$0x3F9E] =	sst lr;
	_ =	strace $0xD0000000  }
0x3: {  	_ = 	snop  }
0x4: {  	_ = 	snop  }
0x5: {  	_ = 	snop  }
0x6: {  	_ = 	snop  }
0x7: {  	_ = 	snop  }
__scs_overlays_trampoline_lowered:
0x8: {  	[smem:$0x3FAD] =	sst s0  }
0x9: {  	[smem:$0x3FAE] =	sst s1  }
0xa: {  	[smem:$0x3FAF] =	sst s2  }
0xb: {  	[smem:$0x3FB0] =	sst s3  }
0xc: {  	[smem:$0x3FB1] =	sst s4  }
0xd: {  	[smem:$0x3FB2] =	sst s5  }
0xe: {  	[smem:$0x3FB3] =	sst s6  }
0xf: {  	[smem:$0x3FB4] =	sst s7  }
0x10: {  	[smem:$0x3FB5] =	sst s8  }
0x11: {  	[smem:$0x3FB6] =	sst s9;
	s0 =	simm.s32 @!p0 $0x0  }
0x12: {  	s1 =	sld [smem:$0x3F9C];
	s0 =	simm.s32 @p0 $0x1  }
0x13: {  	[smem:$0x3FB7] =	sst s0;
	s0 =	simm.s32 @!p1 $0x0  }
0x14: {  	s2 =	sld [smem:$0x3F9B];
	s0 =	simm.s32 @p1 $0x1  }
0x15: {  	[smem:$0x3FB8] =	sst s0;
	s0 =	simm.s32 @!p2 $0x0  }
0x16: {  	s3 =	sld [smem:$0x3FDB];
	s0 =	simm.s32 @p2 $0x1  }
0x17: {  	s4 =	simm.s32 $0x1BF5;
	[smem:$0x3FBA] =	sst s0  }
0x18: {  	s0 =	sld [smem:$0x3F9D];
	_ =	swait.ge [sflag:s4], $0x0  }
0x19: {  	s7 =	sld [smem:$0x3F9E]  }
0x1a: {  	s8 =	sadd.s32 $0xFFFFE003, lr  }
0x1b: {  	s9 =	sadd.s32 $0xFFFFFEF7, lr;
	s5 =	simm.s32 $0xFFFFFFFF;
	p2 =	slt.u32 s8, $0xFFFFF086  }
0x1c: {  	p1 =	slt.u32 s9, $0xF7A;
	s5 =	simm.s32 @!p2 $0x0  }
0x1d: {  	s5 =	simm.s32 @p1 $0x1;
	p0 =	seq.s32 s7, s2  }
0x1e: {  	s7 =	smul.u32 @!p0 $0xF7A, s2;
	p2 =	seq.s32 @!p0 s5, $0x0  }
0x1f: {  	s9 =	smul.u32 $0xF7A, s1;
	s8 =	simm.s32 @!p0 $0x1BF5;
	p2 =	por !p2, p0  }
0x20: {  	[sflag:s8] =	ssyncset.s32 @!p0 $0xFFFFF086;
	s6 =	sadd.s32 @!p0 s3, s7;
	s7 =	simm.s32 @!p0 $0x108  }
0x21: {  	s3 =	sadd.s32 s3, s9;
	s6 =	sadd.s32 @!p0 $0x88, s6;
	s7 =	simm.s32 @p2 $0x1082  }
0x22: {  	[simem:s7], [sflag:s8] =	dma.local @!p0 [hbm:s6], $0xF7A  }
0x23: {  	s9 =	sor.u32 $0xD0000000, s2;
	s6 =	simm.s32 $0x108;
	_ =	swait.ge @!p0 [sflag:s8], $0x0  }
0x24: {  	s3 =	sadd.s32 $0x88, s3;
	s6 =	simm.s32 @!p1 $0x1082;
	[sflag:s4] =	ssyncset.s32 $0xFFFFF086  }
0x25: {  	[simem:s6], [sflag:s4] =	dma.local [hbm:s3], $0xF7A  }
0x26: {  	[smem:$0x3F9E] =	sst s1;
	(tag) =	ssettag s2;
	_ =	strace s9  }
0x27: {  	s1 =	sld [smem:$0x3FAE]  }
0x28: {  	s2 =	sld [smem:$0x3FAF]  }
0x29: {  	s4 =	sld [smem:$0x3FB1]  }
0x2a: {  	p0 =	seq.s32 s5, $0x0;
	s5 =	sld [smem:$0x3FB2]  }
0x2b: {  	s6 =	sld [smem:$0x3FB3]  }
0x2c: {  	s7 =	sld [smem:$0x3FB4]  }
0x2d: {  	s3 =	simm.s32 $0x108;
	s8 =	sld [smem:$0x3FB5]  }
0x2e: {  	s3 =	simm.s32 @!p0 $0x1082;
	s9 =	sld [smem:$0x3FB6]  }
0x2f: {  	lr =	sadd.s32 s0, s3;
	s0 =	sld [smem:$0x3FAD]  }
0x30: {  	s3 =	sld [smem:$0x3FB0]  }
0x31: {  	[smem:$0x3FB9] =	sst s10  }
0x32: {  	s10 =	sld [smem:$0x3FB7];
	_ =	sdelay $0x3  }
0x33: {  	p0 =	seq.s32 s10, $0x1;
	s10 =	sld [smem:$0x3FB9];
	_ =	sdelay $0x3  }
0x34: {  	[smem:$0x3FB9] =	sst s10  }
0x35: {  	s10 =	sld [smem:$0x3FB8];
	_ =	sdelay $0x3  }
0x36: {  	p1 =	seq.s32 s10, $0x1;
	s10 =	sld [smem:$0x3FB9];
	_ =	sdelay $0x3  }
0x37: {  	[smem:$0x3FB9] =	sst s10  }
0x38: {  	s10 =	sld [smem:$0x3FBA]  }
0x39: {  	_ = 	snop;
	(pc) =	sbr.ind lr, $3  }
0x3a: {  	_ = 	snop  }
0x3b: {  	_ = 	snop  }
0x3c: {  	p2 =	seq.s32 s10, $0x1;
	s10 =	sld [smem:$0x3FB9]  }
0x3d: {  	_ =	shalt  }
0x3e: {  	_ =	shalt  }
0x3f: {  	_ =	shalt  }
0x40: {  	_ =	shalt  }
0x41: {  	_ =	shalt  }
0x42: {  	_ =	shalt  }
0x43: {  	_ =	shalt  }
0x44: {  	_ =	shalt  }
0x45: {  	_ =	shalt  }
0x46: {  	_ =	shalt  }
0x47: {  	_ =	shalt  }
0x48: {  	_ =	shalt  }
0x49: {  	_ =	shalt  }
0x4a: {  	_ =	shalt  }
0x4b: {  	_ =	shalt  }
0x4c: {  	_ =	shalt  }
0x4d: {  	_ =	shalt  }
0x4e: {  	_ =	shalt  }
0x4f: {  	_ =	shalt  }
0x50: {  	_ =	shalt  }
0x51: {  	_ =	shalt  }
0x52: {  	_ =	shalt  }
0x53: {  	_ =	shalt  }
0x54: {  	_ =	shalt  }
0x55: {  	_ =	shalt  }
0x56: {  	_ =	shalt  }
0x57: {  	_ =	shalt  }
0x58: {  	_ =	shalt  }
0x59: {  	_ =	shalt  }
0x5a: {  	_ =	shalt  }
0x5b: {  	_ =	shalt  }
0x5c: {  	_ =	shalt  }
0x5d: {  	_ =	shalt  }
0x5e: {  	_ =	shalt  }
0x5f: {  	_ =	shalt  }
0x60: {  	_ =	shalt  }
0x61: {  	_ =	shalt  }
0x62: {  	_ =	shalt  }
0x63: {  	_ =	shalt  }
0x64: {  	_ =	shalt  }
0x65: {  	_ =	shalt  }
0x66: {  	_ =	shalt  }
0x67: {  	_ =	shalt  }
0x68: {  	_ =	shalt  }
0x69: {  	_ =	shalt  }
0x6a: {  	_ =	shalt  }
0x6b: {  	_ =	shalt  }
0x6c: {  	_ =	shalt  }
0x6d: {  	_ =	shalt  }
0x6e: {  	_ =	shalt  }
0x6f: {  	_ =	shalt  }
0x70: {  	_ =	shalt  }
0x71: {  	_ =	shalt  }
0x72: {  	_ =	shalt  }
0x73: {  	_ =	shalt  }
0x74: {  	_ =	shalt  }
0x75: {  	_ =	shalt  }
0x76: {  	_ =	shalt  }
0x77: {  	_ =	shalt  }
0x78: {  	_ =	shalt  }
0x79: {  	_ =	shalt  }
0x7a: {  	_ =	shalt  }
0x7b: {  	_ =	shalt  }
0x7c: {  	_ =	shalt  }
0x7d: {  	_ =	shalt  }
0x7e: {  	_ =	shalt  }
0x7f: {  	_ =	shalt  }
0x80: {  	_ =	shalt  }
0x81: {  	_ =	shalt  }
0x82: {  	_ =	shalt  }
0x83: {  	_ =	shalt  }
0x84: {  	_ =	shalt  }
0x85: {  	_ =	shalt  }
0x86: {  	_ =	shalt  }
0x87: {  	_ =	shalt  }
.Lfunc_end0:
.L_simem_size_0:
called_computation_lowered:
.L_overlay_start_0:
0x88: {  	s2 =	sld [smem:$0x3FD9]  }
0x89: {  	s3 =	sld [smem:$0x3FFE];
	_ =	sdelay $0x1  }
0x8a: {  	s1 =	srdreg.scid  }
0x8b: {  	s0 =	sand.u32 $0x1, s1  }
0x8c: {  	s18 =	sshll.u32 s0, $0xA;
	s2 =	sadd.s32 s3, s2  }
0x8d: {  	s2 =	sadd.s32 s2, s18  }
0x8e: {  	[smem:$0x3FC5] =	sst s2  }
0x8f: {  	_ = 	snop  }
0x90: {  	s2 =	sld [smem:$0x3FC9]  }
0x91: {  	s19 =	sld [smem:$0x3FC8]  }
0x92: {  	s4 =	sld [smem:$0x3FC7]  }
0x93: {  	s5 =	sld [smem:$0x3FD0];
	(tm) =	ssettm $0x1  }
0x94: {  	s6 =	sld [smem:$0x3FFB];
	_ =	sdelay $0x3  }
0x95: {  	_ =	strace s6  }
0x96: {  	s6 =	sld [smem:$0x3FFC];
	_ =	sdelay $0x3  }
0x97: {  	_ =	strace s6  }
0x98: {  	s6 =	sld [smem:$0x3FFD];
	_ =	sdelay $0x3  }
0x99: {  	_ =	strace s6  }
0x9a: {  	_ =	strace $0x8FFFFFFF  }
0x9b: {  	s20 =	sld [smem:$0x3FDB];
	_ =	sdelay $0x1  }
0x9c: {  	s7 =	simm.s32 $_scs_section_size  }
0x9d: {  	s8 =	simm.s32 $_size__tile_overlayer_lowered;
	s9 =	simm.s32 $_tile_overlayer_lowered  }
0x9e: {  	s23 =	simm.s32 $0x1BFF;
	s22 =	sshll.u32 s9, $0x1;
	s6 =	sadd.s32 s7, s20  }
0x9f: {  	s10 =	simm.s32 $0x0;
	s21 =	sshll.u32 s8, $0x1;
	s8 =	sadd.s32 s22, s6  }
0xa0: {  	[timem:s10], [sflag:s23] =	dma.local [hbm:s8], s21  }
0xa1: {  	_ =	swait.ge [sflag:s23], s21  }
0xa2: {  	s7 =	ssub.s32 $0x0, s21;
	[sflag:s23] =	ssyncset.done $0x0  }
0xa3: {  	[sflag:s23] =	ssyncadd.s32 s7;
	_ =	sdelay $0x1  }
0xa4: {  	s24 =	simm.s32 $0x1B8B  }
0xa5: {  	_ =	swait.ge [sflag:s24], $0x1  }
0xa6: {  	[sflag:s24] =	ssyncset.done $0x0  }
0xa7: {  	s25 =	simm.s32 $0x1B8E;
	[sflag:s24] =	ssyncadd.s32 $0xFFFFFFFF  }
0xa8: {  	s26 =	simm.s32 $execute0_lowered;
	[smem:$0x3FD2] =	sst s25  }
0xa9: {  	s7 =	sshll.u32 s26, $0x1;
	_ =	strace $0x80000046;
	[dreg:$0x1] =	wrdreg $0xFFFFFFFF  }
0xaa: {  	s28 =	simm.s32 $_size_execute0_lowered;
	s6 =	sadd.s32 s6, s7;
	[dreg:$0x0] =	wrdreg $0x0  }
0xab: {  	s7 =	sshll.u32 s28, $0x1;
	[dreg:$0x2] =	wrdreg s6  }
0xac: {  	[dreg:$0x3] =	wrdreg s7  }
0xad: {  	[dreg:$0x4] =	wrdreg $0xC0  }
0xae: {  	_ =	task [dreg:s10], $0x5FFFF  }
0xaf: {  	[dreg:$0x1] =	wrdreg $0xFFFFFFFF  }
0xb0: {  	[dreg:$0x0] =	wrdreg $0x60  }
0xb1: {  	[dreg:$0x2] =	wrdreg s2  }
0xb2: {  	[dreg:$0x3] =	wrdreg s19  }
0xb3: {  	[dreg:$0x4] =	wrdreg s4  }
0xb4: {  	[dreg:$0x5] =	wrdreg s5  }
0xb5: {  	[dreg:$0x6] =	wrdreg $0x9  }
0xb6: {  	_ =	task.clear_ibuf [dreg:s10], $0x7FFFF;
	_ =	strace $0x90000046  }
0xb7: {  	s29 =	simm.s32 $0x9;
	_ =	strace $0x80000048  }
0xb8: {  	_ =	swait.ge [sflag:s29], $0x1  }
0xb9: {  	[sflag:s29] =	ssyncadd.s32 $0xFFFFFFFF  }
0xba: {  	_ =	strace $0x90000048  }
0xbb: {  	_ =	sfence  }
0xbc: {  	s30 =	sld [smem:$0x0];
	_ =	sdelay $0x2  }
0xbd: {  	s31 =	sshll.u32 s1, $0xD;
	s1 =	sshrl.u32 s1, $0x2  }
0xbe: {  	s3 =	sand.u32 $0x4000, s31;
	s1 =	sadd.s32 s1, s30  }
0xbf: {  	s0 =	sor.u32 s3, s0;
	s1 =	sshll.u32 s1, $0x11  }
0xc0: {  	s0 =	sor.u32 s1, s0  }
0xc1: {  	s0 =	sadd.s32 $0x8F2B, s0  }
0xc2: {  	[sflag:s0] =	ssyncadd.remote.s32 $0x1  }
0xc3: {  	_ =	sfence.sel $0xFFFF  }
0xc4: {  	[dreg:$0x0] =	wrdreg $0xFFFFFFFF;
	(pc) =	sbr.abs _section_cstart, $3  }
0xc5: {  	[dreg:$0x1] =	wrdreg $0xFFFFFFFF  }
0xc6: {  	_ =	task.clear_ibuf [dreg:s10], $0x2FFFF;
	_ =	strace $0x9FFFFFFF  }
0xc7: {  	(tm) =	ssettm $0x7FFFFFFF  }
tec
execute0_lowered:
.L_overlay_start_1:
0x0: {  	(tag) =	ssettag $0x1  }
0x1: {  	s1 =	rddreg [dreg:$0x0]  }
0x2: {  	s0 =	srdreg.scid;
	s2 =	rddreg [dreg:$0x1]  }
0x3: {  	s4 =	stileid.u32;
	s3 =	rddreg [dreg:$0x2];
	s30 =	simm.s32 $0xF400  }
0x4: {  	s19 =	simm.s32 $0x12400;
	s28 =	simm.s32 $0x1;
	s29 =	simm.s32 $0x5  }
0x5: {  	s31 =	simm.s32 $0x15400;
	s16 =	simm.s32 $0x3;
	s17 =	simm.s32 $0x7  }
0x6: {  	s18 =	simm.s32 $0x4;
	s12 =	simm.s32 $0xB;
	s13 =	simm.s32 $0x0  }
0x7: {  	s0 =	sand.u32 $0x1, s0;
	s5 =	sshll.u32 s4, $0xB;
	s4 =	rddreg [dreg:$0x3]  }
0x8: {  	s10 =	sadd.s32 $0x200, s3;
	s6 =	sshll.u32 s0, $0xA;
	s0 =	ssub.s32 $0x2, s0  }
0x9: {  	s5 =	sor.u32 s6, s5;
	s6 =	simm.s32 $0x0;
	s9 =	sshrl.u32 s0, $0x1  }
0xa: {  	s7 =	sshrl.u32 s5, $0x3;
	[smem:$0x7FF] =	sst s6;
	s0 =	ssub.s32 s0, s9  }
0xb: {  	s8 =	smul.u32 $0x300, s7;
	_ =	strace $0x80000047;
	s2 =	sadd.s32 s2, s7  }
.Ltmp0:
0xc: {  	s0 =	smax.u32 s0, $0x1;
	[dreg:$0x5] =	wrdreg s2;
	(pc) =	sbr.rel .LBB2_1-.Ltmp0, $4  }
0xd: {  	s14 =	sadd.s32 $0xC00, s4;
	[dreg:$0x9] =	wrdreg s0;
	s25 =	sadd.s32 s1, s8  }
0xe: {  	v2 =	vlaneseq.u32;
	s9 =	sadd.s32 $0x100, s3;
	s26 =	sadd.s32 $0x600, s25;
	[dreg:$0x6] =	wrdreg s25  }
0xf: {  	vm0 =	vmmov $0xffff;
	v1 =	vshrl.u32 v2, $0x3;
	s7 =	simm.s32 $0x8;
	s2 =	sadd.s32 $0xC00, s25;
	[dreg:$0x7] =	wrdreg s26  }
0x10: {  	v0 =	vand.u32 $0x7, v2;
	v2 =	vor.u32 $0x8, v2;
	v1 =	vmul.u32 $0x8, v1;
	s0 =	simm.s32 $0x6;
	[dreg:$0x8] =	wrdreg s2;
	s2 =	simm.s32 $0x2  }
.LBB2_20:
0x11: {  	s8 =	simm.s32 $0xC  }
0x12: {  	_ =	swait.ge [sflag:s8], $0x3000  }
0x13: {  	[sflag:s8] =	ssyncset.done $0x0  }
0x14: {  	[sflag:s8] =	ssyncadd.s32 $0xFFFFD000  }
0x15: {  	_ =	swait.ge [sflag:s12], $0x3000  }
0x16: {  	[sflag:s12] =	ssyncset.done $0x0  }
0x17: {  	s25 =	simm.s32 $0xA;
	[sflag:s12] =	ssyncadd.s32 $0xFFFFD000  }
0x18: {  	_ =	swait.ge [sflag:s25], $0x3000  }
0x19: {  	[sflag:s25] =	ssyncset.done $0x0  }
0x1a: {  	s11 =	simm.s32 $0x9;
	[sflag:s25] =	ssyncadd.s32 $0xFFFFD000  }
0x1b: {  	_ =	swait.ge [sflag:s11], $0x3000  }
0x1c: {  	s13 =	rddreg [dreg:$0xa]  }
0x1d: {  	s26 =	rddreg [dreg:$0x9];
	s13 =	sadd.s32 $0x1, s13  }
0x1e: {  	p0 =	sne.s32 s13, s26  }
.Ltmp1:
0x1f: {  	_ = 	snop;
	(pc) =	sbr.rel @!p0 .LBB2_21-.Ltmp1, $3  }
0x20: {  	_ =	sdelay $0x1  }
0x21: {  	[sflag:s11] =	ssyncset.done $0x0  }
0x22: {  	[sflag:s11] =	ssyncadd.s32 $0xFFFFD000  }
.LBB2_1:
0x23: {  	[dreg:$0xa] =	wrdreg s13  }
0x24: {  	s8 =	rddreg [dreg:$0x5];
	s25 =	simm.s32 $0xD  }
0x25: {  	[tilespmem:s6], [sflag:$0xD] =	stream.linear.gather [hbm4b:s8+s6], $0x400, $0x38;
	[tilespmem:$0x18400] =	vst v63  }
0x26: {  	_ =	swait.ge [sflag:s25], $0x400  }
0x27: {  	[sflag:s25] =	ssyncset.done $0x0  }
0x28: {  	[sflag:s25] =	ssyncadd.s32 $0xFFFFFC00  }
0x29: {  	v3 =	vld [tilespmem:$0x0];
	_ =	sdelay $0x4  }
0x2a: {  	v4 =	vshrl.u32 v3, $0x3  }
0x2b: {  	v4 =	vmul.u32 $0x30, v4  }
0x2c: {  	v3 =	vand.u32 $0x7, v3  }
0x2d: {  	v3 =	vor.u32 v3, v4  }
0x2e: {  	v4 =	vperm.xlane v3, v0;
	_ =	sdelay $0x1  }
0x2f: {  	v4 =	vadd.s32 v1, v4;
	_ =	sdelay $0x3  }
0x30: {  	s26 =	simm.s32 $0x400;
	v3 =	vperm.xlane v3, v2  }
0x31: {  	[tilespmem:s26], [sflag:$0x1] =	stream.indirect_vreg.gather [hbm4b:s3+s6], $0x80, v4, vm0, $0xb8;
	[tilespmem:$0x18400] =	vst v63  }
0x32: {  	s11 =	simm.s32 $0xC00;
	v3 =	vadd.s32 v1, v3  }
0x33: {  	[tilespmem:s11], [sflag:$0x1] =	stream.indirect_vreg.gather [hbm4b:s9+s6], $0x80, v4, vm0, $0xb8;
	[tilespmem:$0x18400] =	vst v63  }
0x34: {  	s13 =	simm.s32 $0x1400  }
0x35: {  	[tilespmem:s13], [sflag:$0x1] =	stream.indirect_vreg.gather [hbm4b:s10+s6], $0x80, v4, vm0, $0xb8;
	[tilespmem:$0x18400] =	vst v63  }
0x36: {  	s15 =	simm.s32 $0x1C00  }
0x37: {  	[tilespmem:s15], [sflag:$0x1] =	stream.indirect_vreg.gather [hbm4b:s3+s6], $0x80, v3, vm0, $0xb8;
	[tilespmem:$0x18400] =	vst v63  }
0x38: {  	s20 =	simm.s32 $0x2400  }
0x39: {  	[tilespmem:s20], [sflag:$0x1] =	stream.indirect_vreg.gather [hbm4b:s9+s6], $0x80, v3, vm0, $0xb8;
	[tilespmem:$0x18400] =	vst v63  }
0x3a: {  	s21 =	simm.s32 $0x2C00  }
0x3b: {  	[tilespmem:s21], [sflag:$0x1] =	stream.indirect_vreg.gather [hbm4b:s10+s6], $0x80, v3, vm0, $0xb8;
	[tilespmem:$0x18400] =	vst v63  }
0x3c: {  	s22 =	rddreg [dreg:$0x6];
	s11 =	simm.s32 $0xC400  }
0x3d: {  	[tilespmem:s11], [sflag:$0x5] =	stream.linear.gather [hbm4b:s22+s6], $0x3000, $0x38;
	[tilespmem:$0x18400] =	vst v63  }
0x3e: {  	v3 =	vld [tilespmem:$0x10];
	_ =	sdelay $0x4  }
0x3f: {  	v62 =	vshrl.u32 v3, $0x3  }
0x40: {  	v4 =	vmul.u32 $0x30, v62  }
0x41: {  	v3 =	vand.u32 $0x7, v3  }
0x42: {  	v3 =	vor.u32 v3, v4  }
0x43: {  	v4 =	vperm.xlane v3, v0;
	_ =	sdelay $0x1  }
0x44: {  	v4 =	vadd.s32 v1, v4;
	_ =	sdelay $0x3  }
0x45: {  	s23 =	simm.s32 $0x3400;
	v3 =	vperm.xlane v3, v2  }
0x46: {  	[tilespmem:s23], [sflag:$0x2] =	stream.indirect_vreg.gather [hbm4b:s3+s6], $0x80, v4, vm0, $0xb8;
	[tilespmem:$0x18400] =	vst v63  }
0x47: {  	s24 =	simm.s32 $0x3C00;
	v3 =	vadd.s32 v1, v3  }
0x48: {  	[tilespmem:s24], [sflag:$0x2] =	stream.indirect_vreg.gather [hbm4b:s9+s6], $0x80, v4, vm0, $0xb8;
	[tilespmem:$0x18400] =	vst v63  }
0x49: {  	s25 =	simm.s32 $0x4400  }
0x4a: {  	[tilespmem:s25], [sflag:$0x2] =	stream.indirect_vreg.gather [hbm4b:s10+s6], $0x80, v4, vm0, $0xb8;
	[tilespmem:$0x18400] =	vst v63  }
0x4b: {  	s26 =	simm.s32 $0x4C00  }
0x4c: {  	[tilespmem:s26], [sflag:$0x2] =	stream.indirect_vreg.gather [hbm4b:s3+s6], $0x80, v3, vm0, $0xb8;
	[tilespmem:$0x18400] =	vst v63  }
0x4d: {  	s11 =	simm.s32 $0x5400  }
0x4e: {  	[tilespmem:s11], [sflag:$0x2] =	stream.indirect_vreg.gather [hbm4b:s9+s6], $0x80, v3, vm0, $0xb8;
	[tilespmem:$0x18400] =	vst v63  }
0x4f: {  	s13 =	simm.s32 $0x5C00  }
0x50: {  	[tilespmem:s13], [sflag:$0x2] =	stream.indirect_vreg.gather [hbm4b:s10+s6], $0x80, v3, vm0, $0xb8;
	[tilespmem:$0x18400] =	vst v63  }
0x51: {  	s15 =	rddreg [dreg:$0x7]  }
0x52: {  	[tilespmem:s30], [sflag:$0x6] =	stream.linear.gather [hbm4b:s15+s6], $0x3000, $0x38;
	[tilespmem:$0x18400] =	vst v63  }
0x53: {  	v3 =	vld [tilespmem:$0x20];
	_ =	sdelay $0x4  }
0x54: {  	v63 =	vshrl.u32 v3, $0x3  }
0x55: {  	v4 =	vmul.u32 $0x30, v63  }
0x56: {  	v3 =	vand.u32 $0x7, v3  }
0x57: {  	v3 =	vor.u32 v3, v4  }
0x58: {  	v4 =	vperm.xlane v3, v0;
	_ =	sdelay $0x1  }
0x59: {  	v4 =	vadd.s32 v1, v4;
	_ =	sdelay $0x3  }
0x5a: {  	s20 =	simm.s32 $0x6400;
	v3 =	vperm.xlane v3, v2  }
0x5b: {  	[tilespmem:s20], [sflag:$0x3] =	stream.indirect_vreg.gather [hbm4b:s3+s6], $0x80, v4, vm0, $0xb8;
	[tilespmem:$0x18400] =	vst v63  }
0x5c: {  	s21 =	simm.s32 $0x6C00;
	v3 =	vadd.s32 v1, v3  }
0x5d: {  	[tilespmem:s21], [sflag:$0x3] =	stream.indirect_vreg.gather [hbm4b:s9+s6], $0x80, v4, vm0, $0xb8;
	[tilespmem:$0x18400] =	vst v63  }
0x5e: {  	s22 =	simm.s32 $0x7400  }
0x5f: {  	[tilespmem:s22], [sflag:$0x3] =	stream.indirect_vreg.gather [hbm4b:s10+s6], $0x80, v4, vm0, $0xb8;
	[tilespmem:$0x18400] =	vst v63  }
0x60: {  	s23 =	simm.s32 $0x7C00  }
0x61: {  	[tilespmem:s23], [sflag:$0x3] =	stream.indirect_vreg.gather [hbm4b:s3+s6], $0x80, v3, vm0, $0xb8;
	[tilespmem:$0x18400] =	vst v63  }
0x62: {  	s24 =	simm.s32 $0x8400  }
0x63: {  	[tilespmem:s24], [sflag:$0x3] =	stream.indirect_vreg.gather [hbm4b:s9+s6], $0x80, v3, vm0, $0xb8;
	[tilespmem:$0x18400] =	vst v63  }
0x64: {  	s25 =	simm.s32 $0x8C00  }
0x65: {  	[tilespmem:s25], [sflag:$0x3] =	stream.indirect_vreg.gather [hbm4b:s10+s6], $0x80, v3, vm0, $0xb8;
	[tilespmem:$0x18400] =	vst v63  }
0x66: {  	s26 =	rddreg [dreg:$0x8];
	s11 =	simm.s32 $0x0  }
0x67: {  	[tilespmem:s19], [sflag:$0x7] =	stream.linear.gather [hbm4b:s26+s6], $0x3000, $0x38;
	[tilespmem:$0x18400] =	vst v63  }
.LBB2_2:
0x68: {  	s8 =	sshllo.u32 s11, $0x2  }
0x69: {  	s13 =	sshll.u32 s8, $0x4  }
0x6a: {  	s8 =	sand.u32 $0x3FFFFFF0, s13  }
0x6b: {  	v3 =	vld [tilespmem:s8+$0x0];
	_ =	sdelay $0x4  }
0x6c: {  	v4 =	vshrl.u32 v3, $0x3  }
0x6d: {  	v4 =	vmul.u32 $0x30, v4  }
0x6e: {  	v3 =	vand.u32 $0x7, v3  }
0x6f: {  	v3 =	vor.u32 v3, v4  }
0x70: {  	v4 =	vperm.xlane v3, v0;
	_ =	sdelay $0x1  }
0x71: {  	v4 =	vadd.s32 v1, v4;
	_ =	sdelay $0x3  }
0x72: {  	s15 =	simm.s32 $0x9400;
	s8 =	simm.s32 $0x0;
	v3 =	vperm.xlane v3, v2  }
0x73: {  	[tilespmem:s15], [sflag:$0x4] =	stream.indirect_vreg.gather [hbm4b:s3+s8], $0x80, v4, vm0, $0xb8;
	[tilespmem:$0x18400] =	vst v63  }
0x74: {  	s22 =	simm.s32 $0x9C00;
	v3 =	vadd.s32 v1, v3  }
0x75: {  	[tilespmem:s22], [sflag:$0x4] =	stream.indirect_vreg.gather [hbm4b:s9+s8], $0x80, v4, vm0, $0xb8;
	[tilespmem:$0x18400] =	vst v63  }
0x76: {  	s23 =	simm.s32 $0xA400  }
0x77: {  	[tilespmem:s23], [sflag:$0x4] =	stream.indirect_vreg.gather [hbm4b:s10+s8], $0x80, v4, vm0, $0xb8;
	[tilespmem:$0x18400] =	vst v63  }
0x78: {  	s24 =	simm.s32 $0xAC00  }
0x79: {  	[tilespmem:s24], [sflag:$0x4] =	stream.indirect_vreg.gather [hbm4b:s3+s8], $0x80, v3, vm0, $0xb8;
	[tilespmem:$0x18400] =	vst v63  }
0x7a: {  	s25 =	simm.s32 $0xB400  }
0x7b: {  	[tilespmem:s25], [sflag:$0x4] =	stream.indirect_vreg.gather [hbm4b:s9+s8], $0x80, v3, vm0, $0xb8;
	[tilespmem:$0x18400] =	vst v63  }
0x7c: {  	s26 =	simm.s32 $0xBC00  }
0x7d: {  	[tilespmem:s26], [sflag:$0x4] =	stream.indirect_vreg.gather [hbm4b:s10+s8], $0x80, v3, vm0, $0xb8;
	[tilespmem:$0x18400] =	vst v63  }
0x7e: {  	_ =	swait.ge [sflag:s28], $0x3000  }
0x7f: {  	[sflag:s28] =	ssyncset.done $0x0  }
0x80: {  	[sflag:s28] =	ssyncadd.s32 $0xFFFFD000  }
0x81: {  	_ =	swait.ge [sflag:s29], $0x3000  }
0x82: {  	[sflag:s29] =	ssyncset.done $0x0  }
0x83: {  	s20 =	simm.s32 $0x0;
	s15 =	sshll.u32 s11, $0x2;
	[sflag:s29] =	ssyncadd.s32 $0xFFFFD000  }
.LBB2_3:
0x84: {  	s21 =	sshrl.u32 s20, $0x3  }
0x85: {  	s22 =	sand.u32 $0x7, s8;
	s21 =	smul.u32 $0x6000, s21  }
0x86: {  	s22 =	sshll.u32 s22, $0x9  }
0x87: {  	s21 =	sor.u32 s22, s21  }
0x88: {  	s21 =	sshra.s32 s21, $0x2  }
0x89: {  	s26 =	sor.u32 $0x440, s21  }
0x8a: {  	v3 =	vmov s26;
	_ =	sdelay $0x3  }
0x8b: {  	s24 =	simm.s32 $0x0  }
0x8c: {  	v4 =	vld.idx.msk [tilespmem:v3+s24+$0xFFFFFFC0 ss:$0x1], $0xffff  }
0x8d: {  	s23 =	simm.s32 $0x1000;
	s21 =	sadd.s32 $0xC400, s21;
	v5 =	vld.idx.msk [tilespmem:v3+s24+$0xFFFFFFD0 ss:$0x1], $0xffff  }
.LBB2_4:
0x8e: {  	p0 =	sne.s32 s23, $0x5000;
	v6 =	vld.idx.msk [tilespmem:v3+s24+$0x30 ss:$0x1], $0xffff  }
0x8f: {  	v7 =	vld.idx.msk [tilespmem:v3+s24+$0xFFFFFFE0 ss:$0x1], $0xffff  }
0x90: {  	v8 =	vld.idx.msk [tilespmem:v3+s24+$0xFFFFFFF0 ss:$0x1], $0xffff  }
0x91: {  	v9 =	vld.idx.msk [tilespmem:v3+s24+$0x0 ss:$0x1], $0xffff  }
0x92: {  	v10 =	vld.idx.msk [tilespmem:v3+s24+$0x10 ss:$0x1], $0xffff  }
0x93: {  	s22 =	sadd.s32 s24, s21;
	v11 =	vld.idx.msk [tilespmem:v3+s24+$0x20 ss:$0x1], $0xffff  }
0x94: {  	[tilespmem:s22+$0x70] =	vst.add.f32.msk $0xffff, v6  }
0x95: {  	[tilespmem:s22+$0x0] =	vst.add.f32.msk $0xffff, v4  }
0x96: {  	[tilespmem:s22+$0x10] =	vst.add.f32.msk $0xffff, v5  }
0x97: {  	[tilespmem:s22+$0x20] =	vst.add.f32.msk $0xffff, v7  }
0x98: {  	[tilespmem:s22+$0x30] =	vst.add.f32.msk $0xffff, v8  }
.Ltmp2:
0x99: {  	[tilespmem:s22+$0x40] =	vst.add.f32.msk $0xffff, v9;
	(pc) =	sbr.rel @p0 .LBB2_4-.Ltmp2, $4  }
0x9a: {  	[tilespmem:s22+$0x50] =	vst.add.f32.msk $0xffff, v10  }
0x9b: {  	s24 =	sshra.s32 s23, $0x2;
	[tilespmem:s22+$0x60] =	vst.add.f32.msk $0xffff, v11  }
0x9c: {  	v4 =	vld.idx.msk [tilespmem:v3+s24+$0xFFFFFFC0 ss:$0x1], $0xffff  }
0x9d: {  	s23 =	sadd.s32 $0x1000, s23;
	v5 =	vld.idx.msk [tilespmem:v3+s24+$0xFFFFFFD0 ss:$0x1], $0xffff  }
0x9e: {  	_ =	sdelay $0x3  }
0x9f: {  	v6 =	vld.idx.msk [tilespmem:v3+s24+$0x30 ss:$0x1], $0xffff  }
0xa0: {  	v7 =	vld.idx.msk [tilespmem:v3+s24+$0xFFFFFFE0 ss:$0x1], $0xffff  }
0xa1: {  	v8 =	vld.idx.msk [tilespmem:v3+s24+$0xFFFFFFF0 ss:$0x1], $0xffff  }
0xa2: {  	v9 =	vld.idx.msk [tilespmem:v3+s24+$0x0 ss:$0x1], $0xffff  }
0xa3: {  	v10 =	vld.idx.msk [tilespmem:v3+s24+$0x10 ss:$0x1], $0xffff  }
0xa4: {  	v3 =	vld.idx.msk [tilespmem:v3+s24+$0x20 ss:$0x1], $0xffff;
	s21 =	sadd.s32 s24, s21  }
0xa5: {  	[tilespmem:s21+$0x0] =	vst.add.f32.msk $0xffff, v4  }
0xa6: {  	s20 =	sadd.s32 $0x1, s20;
	[tilespmem:s21+$0x10] =	vst.add.f32.msk $0xffff, v5  }
0xa7: {  	p0 =	sne.s32 s20, $0x10;
	[tilespmem:s21+$0x70] =	vst.add.f32.msk $0xffff, v6  }
.Ltmp3:
0xa8: {  	[tilespmem:s21+$0x20] =	vst.add.f32.msk $0xffff, v7;
	(pc) =	sbr.rel @p0 .LBB2_3-.Ltmp3, $4  }
0xa9: {  	[tilespmem:s21+$0x30] =	vst.add.f32.msk $0xffff, v8  }
0xaa: {  	[tilespmem:s21+$0x40] =	vst.add.f32.msk $0xffff, v9  }
0xab: {  	[tilespmem:s21+$0x50] =	vst.add.f32.msk $0xffff, v10  }
0xac: {  	s8 =	sadd.s32 $0x1, s8;
	[tilespmem:s21+$0x60] =	vst.add.f32.msk $0xffff, v3  }
0xad: {  	s8 =	sshll.u32 s11, $0x6  }
0xae: {  	s8 =	sor.u32 s5, s8  }
0xaf: {  	s8 =	sshrl.u32 s8, $0x3  }
0xb0: {  	s8 =	smul.u32 $0x300, s8  }
0xb1: {  	s21 =	simm.s32 $0xC400;
	s13 =	sadd.s32 s5, s13  }
0xb2: {  	p0 =	seq.s32 s11, $0x0;
	s13 =	sshrl.u32 s13, $0x3;
	s20 =	sadd.s32 s4, s8  }
0xb3: {  	[hbm4b:s20+s6] =	stream.linear.scatter [tilespmem:s21], [sflag:$0x9], $0x3000, $0x38;
	[tilespmem:$0x18400] =	vst v63  }
0xb4: {  	s13 =	smul.u32 $0x300, s13;
	s20 =	simm.s32 @!p0 $0xC  }
0xb5: {  	_ =	swait.ge @!p0 [sflag:s20], $0x3000  }
0xb6: {  	s26 =	sadd.s32 s1, s13;
	[sflag:s20] =	ssyncset.done @!p0 $0x0  }
0xb7: {  	[sflag:s20] =	ssyncadd.s32 @!p0 $0xFFFFD000;
	s20 =	sadd.s32 $0x4, s15;
	p0 =	seq.s32 s11, $0xF  }
0xb8: {  	[tilespmem:s31], [sflag:$0x8] =	stream.linear.gather [hbm4b:s26+s6], $0x3000, $0x38;
	[tilespmem:$0x18400] =	vst v63  }
0xb9: {  	s20 =	sshll.u32 @!p0 s20, $0x4  }
0xba: {  	s21 =	sand.u32 @!p0 $0x3FFFFFF0, s20  }
0xbb: {  	v3 =	vld @!p0 [tilespmem:s21+$0x0];
	_ =	sdelay $0x4  }
0xbc: {  	v4 =	vshrl.u32 @!p0 v3, $0x3  }
0xbd: {  	v4 =	vmul.u32 @!p0 $0x30, v4  }
0xbe: {  	v5 =	vlaneseq.u32 @!p0;
	v3 =	vand.u32 @!p0 $0x7, v3  }
0xbf: {  	v6 =	vshrl.u32 @!p0 v5, $0x3;
	v3 =	vor.u32 @!p0 v3, v4;
	v4 =	vand.u32 @!p0 $0x7, v5  }
0xc0: {  	v6 =	vmul.u32 @!p0 $0x8, v6;
	v4 =	vperm.xlane @!p0 v3, v4;
	_ =	sdelay $0x1  }
0xc1: {  	v4 =	vadd.s32 @!p0 v6, v4;
	_ =	sdelay $0x2  }
0xc2: {  	v5 =	vor.u32 @!p0 $0x8, v5  }
0xc3: {  	vm1 =	vmmov @!p0 $0xffff;
	s22 =	simm.s32 @!p0 $0x400;
	s21 =	simm.s32 @!p0 $0x0;
	v3 =	vperm.xlane @!p0 v3, v5  }
0xc4: {  	[tilespmem:s22], [sflag:$0x1] =	stream.indirect_vreg.gather @!p0 [hbm4b:s3+s21], $0x80, v4, vm1, $0xb8;
	[tilespmem:$0x18400] =	vst v63  }
0xc5: {  	v3 =	vadd.s32 @!p0 v6, v3;
	s22 =	simm.s32 @!p0 $0xC00  }
0xc6: {  	[tilespmem:s22], [sflag:$0x1] =	stream.indirect_vreg.gather @!p0 [hbm4b:s9+s21], $0x80, v4, vm1, $0xb8;
	[tilespmem:$0x18400] =	vst v63  }
0xc7: {  	s22 =	simm.s32 @!p0 $0x1400  }
0xc8: {  	[tilespmem:s22], [sflag:$0x1] =	stream.indirect_vreg.gather @!p0 [hbm4b:s10+s21], $0x80, v4, vm1, $0xb8;
	[tilespmem:$0x18400] =	vst v63  }
0xc9: {  	s22 =	simm.s32 @!p0 $0x1C00  }
0xca: {  	[tilespmem:s22], [sflag:$0x1] =	stream.indirect_vreg.gather @!p0 [hbm4b:s3+s21], $0x80, v3, vm1, $0xb8;
	[tilespmem:$0x18400] =	vst v63  }
0xcb: {  	s22 =	simm.s32 @!p0 $0x2400  }
0xcc: {  	[tilespmem:s22], [sflag:$0x1] =	stream.indirect_vreg.gather @!p0 [hbm4b:s9+s21], $0x80, v3, vm1, $0xb8;
	[tilespmem:$0x18400] =	vst v63  }
0xcd: {  	s22 =	simm.s32 @!p0 $0x2C00  }
0xce: {  	[tilespmem:s22], [sflag:$0x1] =	stream.indirect_vreg.gather @!p0 [hbm4b:s10+s21], $0x80, v3, vm1, $0xb8;
	[tilespmem:$0x18400] =	vst v63  }
0xcf: {  	_ =	swait.ge [sflag:s2], $0x3000  }
0xd0: {  	[sflag:s2] =	ssyncset.done $0x0  }
0xd1: {  	[sflag:s2] =	ssyncadd.s32 $0xFFFFD000  }
0xd2: {  	_ =	swait.ge [sflag:s0], $0x3000  }
0xd3: {  	[sflag:s0] =	ssyncset.done $0x0  }
0xd4: {  	s23 =	simm.s32 $0x0;
	s21 =	simm.s32 $0x0;
	[sflag:s0] =	ssyncadd.s32 $0xFFFFD000  }
.LBB2_7:
0xd5: {  	s22 =	sshrl.u32 s23, $0x3  }
0xd6: {  	s24 =	sand.u32 $0x7, s21;
	s22 =	smul.u32 $0x6000, s22  }
0xd7: {  	s24 =	sshll.u32 s24, $0x9  }
0xd8: {  	s22 =	sor.u32 s24, s22  }
0xd9: {  	s24 =	sshra.s32 s22, $0x2  }
0xda: {  	s22 =	sadd.s32 $0x3440, s24  }
0xdb: {  	v3 =	vmov s22;
	_ =	sdelay $0x3  }
0xdc: {  	s22 =	simm.s32 $0x0  }
0xdd: {  	v4 =	vld.idx.msk [tilespmem:v3+s22+$0xFFFFFFC0 ss:$0x1], $0xffff  }
0xde: {  	s25 =	simm.s32 $0x1000;
	s24 =	sadd.s32 $0xF400, s24;
	v5 =	vld.idx.msk [tilespmem:v3+s22+$0xFFFFFFD0 ss:$0x1], $0xffff  }
.LBB2_8:
0xdf: {  	p1 =	sne.s32 s25, $0x5000;
	v6 =	vld.idx.msk [tilespmem:v3+s22+$0x30 ss:$0x1], $0xffff  }
0xe0: {  	v7 =	vld.idx.msk [tilespmem:v3+s22+$0xFFFFFFE0 ss:$0x1], $0xffff  }
0xe1: {  	v8 =	vld.idx.msk [tilespmem:v3+s22+$0xFFFFFFF0 ss:$0x1], $0xffff  }
0xe2: {  	v9 =	vld.idx.msk [tilespmem:v3+s22+$0x0 ss:$0x1], $0xffff  }
0xe3: {  	v10 =	vld.idx.msk [tilespmem:v3+s22+$0x10 ss:$0x1], $0xffff  }
0xe4: {  	s26 =	sadd.s32 s22, s24;
	v11 =	vld.idx.msk [tilespmem:v3+s22+$0x20 ss:$0x1], $0xffff  }
0xe5: {  	[tilespmem:s26+$0x70] =	vst.add.f32.msk $0xffff, v6  }
0xe6: {  	[tilespmem:s26+$0x0] =	vst.add.f32.msk $0xffff, v4  }
0xe7: {  	[tilespmem:s26+$0x10] =	vst.add.f32.msk $0xffff, v5  }
0xe8: {  	[tilespmem:s26+$0x20] =	vst.add.f32.msk $0xffff, v7  }
0xe9: {  	[tilespmem:s26+$0x30] =	vst.add.f32.msk $0xffff, v8  }
.Ltmp4:
0xea: {  	[tilespmem:s26+$0x40] =	vst.add.f32.msk $0xffff, v9;
	(pc) =	sbr.rel @p1 .LBB2_8-.Ltmp4, $4  }
0xeb: {  	[tilespmem:s26+$0x50] =	vst.add.f32.msk $0xffff, v10  }
0xec: {  	s22 =	sshra.s32 s25, $0x2;
	[tilespmem:s26+$0x60] =	vst.add.f32.msk $0xffff, v11  }
0xed: {  	v4 =	vld.idx.msk [tilespmem:v3+s22+$0xFFFFFFC0 ss:$0x1], $0xffff  }
0xee: {  	s25 =	sadd.s32 $0x1000, s25;
	v5 =	vld.idx.msk [tilespmem:v3+s22+$0xFFFFFFD0 ss:$0x1], $0xffff  }
0xef: {  	_ =	sdelay $0x3  }
0xf0: {  	v6 =	vld.idx.msk [tilespmem:v3+s22+$0x30 ss:$0x1], $0xffff  }
0xf1: {  	v7 =	vld.idx.msk [tilespmem:v3+s22+$0xFFFFFFE0 ss:$0x1], $0xffff  }
0xf2: {  	v8 =	vld.idx.msk [tilespmem:v3+s22+$0xFFFFFFF0 ss:$0x1], $0xffff  }
0xf3: {  	v9 =	vld.idx.msk [tilespmem:v3+s22+$0x0 ss:$0x1], $0xffff  }
0xf4: {  	v10 =	vld.idx.msk [tilespmem:v3+s22+$0x10 ss:$0x1], $0xffff  }
0xf5: {  	v3 =	vld.idx.msk [tilespmem:v3+s22+$0x20 ss:$0x1], $0xffff;
	s26 =	sadd.s32 s22, s24  }
0xf6: {  	[tilespmem:s26+$0x0] =	vst.add.f32.msk $0xffff, v4  }
0xf7: {  	s23 =	sadd.s32 $0x1, s23;
	[tilespmem:s26+$0x10] =	vst.add.f32.msk $0xffff, v5  }
0xf8: {  	p1 =	sne.s32 s23, $0x10;
	[tilespmem:s26+$0x70] =	vst.add.f32.msk $0xffff, v6  }
.Ltmp5:
0xf9: {  	[tilespmem:s26+$0x20] =	vst.add.f32.msk $0xffff, v7;
	(pc) =	sbr.rel @p1 .LBB2_7-.Ltmp5, $4  }
0xfa: {  	[tilespmem:s26+$0x30] =	vst.add.f32.msk $0xffff, v8  }
0xfb: {  	[tilespmem:s26+$0x40] =	vst.add.f32.msk $0xffff, v9  }
0xfc: {  	[tilespmem:s26+$0x50] =	vst.add.f32.msk $0xffff, v10  }
0xfd: {  	s21 =	sadd.s32 $0x1, s21;
	[tilespmem:s26+$0x60] =	vst.add.f32.msk $0xffff, v3  }
0xfe: {  	s21 =	sadd.s32 s8, s4  }
0xff: {  	s20 =	sadd.s32 @!p0 s5, s20;
	s21 =	sadd.s32 $0x600, s21  }
0x100: {  	[hbm4b:s21+s6] =	stream.linear.scatter [tilespmem:s30], [sflag:$0xA], $0x3000, $0x38;
	[tilespmem:$0x18400] =	vst v63  }
0x101: {  	s20 =	sshrl.u32 @!p0 s20, $0x3;
	s21 =	simm.s32 @!p0 $0x9  }
0x102: {  	s20 =	smul.u32 @!p0 $0x300, s20;
	_ =	swait.ge @!p0 [sflag:s21], $0x3000  }
0x103: {  	s22 =	simm.s32 @!p0 $0xC400;
	s15 =	sshll.u32 @!p0 s15, $0x4;
	[sflag:s21] =	ssyncset.done @!p0 $0x0  }
0x104: {  	s20 =	sadd.s32 @!p0 s1, s20;
	[sflag:s21] =	ssyncadd.s32 @!p0 $0xFFFFD000;
	s21 =	simm.s32 @!p0 $0x0  }
0x105: {  	[tilespmem:s22], [sflag:$0x5] =	stream.linear.gather @!p0 [hbm4b:s20+s21], $0x3000, $0x38;
	[tilespmem:$0x18400] =	vst v63  }
0x106: {  	s20 =	sadd.s32 @!p0 $0x50, s15  }
0x107: {  	s22 =	sand.u32 @!p0 $0x3FFFFFF0, s20  }
0x108: {  	v3 =	vld @!p0 [tilespmem:s22+$0x0];
	_ =	sdelay $0x4  }
0x109: {  	v4 =	vshrl.u32 @!p0 v3, $0x3  }
0x10a: {  	v4 =	vmul.u32 @!p0 $0x30, v4  }
0x10b: {  	v5 =	vlaneseq.u32 @!p0;
	v3 =	vand.u32 @!p0 $0x7, v3  }
0x10c: {  	v6 =	vshrl.u32 @!p0 v5, $0x3;
	v3 =	vor.u32 @!p0 v3, v4;
	v4 =	vand.u32 @!p0 $0x7, v5  }
0x10d: {  	v6 =	vmul.u32 @!p0 $0x8, v6;
	v4 =	vperm.xlane @!p0 v3, v4;
	_ =	sdelay $0x1  }
0x10e: {  	v4 =	vadd.s32 @!p0 v6, v4;
	_ =	sdelay $0x2  }
0x10f: {  	v5 =	vor.u32 @!p0 $0x8, v5  }
0x110: {  	s22 =	simm.s32 @!p0 $0x3400;
	v3 =	vperm.xlane @!p0 v3, v5  }
0x111: {  	[tilespmem:s22], [sflag:$0x2] =	stream.indirect_vreg.gather @!p0 [hbm4b:s3+s21], $0x80, v4, vm1, $0xb8;
	[tilespmem:$0x18400] =	vst v63  }
0x112: {  	v3 =	vadd.s32 @!p0 v6, v3;
	s22 =	simm.s32 @!p0 $0x3C00  }
0x113: {  	[tilespmem:s22], [sflag:$0x2] =	stream.indirect_vreg.gather @!p0 [hbm4b:s9+s21], $0x80, v4, vm1, $0xb8;
	[tilespmem:$0x18400] =	vst v63  }
0x114: {  	s22 =	simm.s32 @!p0 $0x4400  }
0x115: {  	[tilespmem:s22], [sflag:$0x2] =	stream.indirect_vreg.gather @!p0 [hbm4b:s10+s21], $0x80, v4, vm1, $0xb8;
	[tilespmem:$0x18400] =	vst v63  }
0x116: {  	s22 =	simm.s32 @!p0 $0x4C00  }
0x117: {  	[tilespmem:s22], [sflag:$0x2] =	stream.indirect_vreg.gather @!p0 [hbm4b:s3+s21], $0x80, v3, vm1, $0xb8;
	[tilespmem:$0x18400] =	vst v63  }
0x118: {  	s22 =	simm.s32 @!p0 $0x5400  }
0x119: {  	[tilespmem:s22], [sflag:$0x2] =	stream.indirect_vreg.gather @!p0 [hbm4b:s9+s21], $0x80, v3, vm1, $0xb8;
	[tilespmem:$0x18400] =	vst v63  }
0x11a: {  	s22 =	simm.s32 @!p0 $0x5C00  }
0x11b: {  	[tilespmem:s22], [sflag:$0x2] =	stream.indirect_vreg.gather @!p0 [hbm4b:s10+s21], $0x80, v3, vm1, $0xb8;
	[tilespmem:$0x18400] =	vst v63  }
0x11c: {  	_ =	swait.ge [sflag:s16], $0x3000  }
0x11d: {  	[sflag:s16] =	ssyncset.done $0x0  }
0x11e: {  	[sflag:s16] =	ssyncadd.s32 $0xFFFFD000  }
0x11f: {  	_ =	swait.ge [sflag:s17], $0x3000  }
0x120: {  	s23 =	simm.s32 $0x0;
	[sflag:s17] =	ssyncset.done $0x0  }
0x121: {  	s20 =	simm.s32 @p0 $0x410;
	s21 =	simm.s32 $0x0;
	[sflag:s17] =	ssyncadd.s32 $0xFFFFD000  }
.LBB2_11:
0x122: {  	s22 =	sshrl.u32 s23, $0x3  }
0x123: {  	s24 =	sand.u32 $0x7, s21;
	s22 =	smul.u32 $0x6000, s22  }
0x124: {  	s24 =	sshll.u32 s24, $0x9  }
0x125: {  	s22 =	sor.u32 s24, s22  }
0x126: {  	s24 =	sshra.s32 s22, $0x2  }
0x127: {  	s22 =	sadd.s32 $0x6440, s24  }
0x128: {  	v3 =	vmov s22;
	_ =	sdelay $0x3  }
0x129: {  	s22 =	simm.s32 $0x0  }
0x12a: {  	v4 =	vld.idx.msk [tilespmem:v3+s22+$0xFFFFFFC0 ss:$0x1], $0xffff  }
0x12b: {  	s25 =	simm.s32 $0x1000;
	s24 =	sadd.s32 $0x12400, s24;
	v5 =	vld.idx.msk [tilespmem:v3+s22+$0xFFFFFFD0 ss:$0x1], $0xffff  }
.LBB2_12:
0x12c: {  	p1 =	sne.s32 s25, $0x5000;
	v6 =	vld.idx.msk [tilespmem:v3+s22+$0x30 ss:$0x1], $0xffff  }
0x12d: {  	v7 =	vld.idx.msk [tilespmem:v3+s22+$0xFFFFFFE0 ss:$0x1], $0xffff  }
0x12e: {  	v8 =	vld.idx.msk [tilespmem:v3+s22+$0xFFFFFFF0 ss:$0x1], $0xffff  }
0x12f: {  	v9 =	vld.idx.msk [tilespmem:v3+s22+$0x0 ss:$0x1], $0xffff  }
0x130: {  	v10 =	vld.idx.msk [tilespmem:v3+s22+$0x10 ss:$0x1], $0xffff  }
0x131: {  	s26 =	sadd.s32 s22, s24;
	v11 =	vld.idx.msk [tilespmem:v3+s22+$0x20 ss:$0x1], $0xffff  }
0x132: {  	[tilespmem:s26+$0x70] =	vst.add.f32.msk $0xffff, v6  }
0x133: {  	[tilespmem:s26+$0x0] =	vst.add.f32.msk $0xffff, v4  }
0x134: {  	[tilespmem:s26+$0x10] =	vst.add.f32.msk $0xffff, v5  }
0x135: {  	[tilespmem:s26+$0x20] =	vst.add.f32.msk $0xffff, v7  }
0x136: {  	[tilespmem:s26+$0x30] =	vst.add.f32.msk $0xffff, v8  }
.Ltmp6:
0x137: {  	[tilespmem:s26+$0x40] =	vst.add.f32.msk $0xffff, v9;
	(pc) =	sbr.rel @p1 .LBB2_12-.Ltmp6, $4  }
0x138: {  	[tilespmem:s26+$0x50] =	vst.add.f32.msk $0xffff, v10  }
0x139: {  	s22 =	sshra.s32 s25, $0x2;
	[tilespmem:s26+$0x60] =	vst.add.f32.msk $0xffff, v11  }
0x13a: {  	v4 =	vld.idx.msk [tilespmem:v3+s22+$0xFFFFFFC0 ss:$0x1], $0xffff  }
0x13b: {  	s25 =	sadd.s32 $0x1000, s25;
	v5 =	vld.idx.msk [tilespmem:v3+s22+$0xFFFFFFD0 ss:$0x1], $0xffff  }
0x13c: {  	_ =	sdelay $0x3  }
0x13d: {  	v6 =	vld.idx.msk [tilespmem:v3+s22+$0x30 ss:$0x1], $0xffff  }
0x13e: {  	v7 =	vld.idx.msk [tilespmem:v3+s22+$0xFFFFFFE0 ss:$0x1], $0xffff  }
0x13f: {  	v8 =	vld.idx.msk [tilespmem:v3+s22+$0xFFFFFFF0 ss:$0x1], $0xffff  }
0x140: {  	v9 =	vld.idx.msk [tilespmem:v3+s22+$0x0 ss:$0x1], $0xffff  }
0x141: {  	v10 =	vld.idx.msk [tilespmem:v3+s22+$0x10 ss:$0x1], $0xffff  }
0x142: {  	v3 =	vld.idx.msk [tilespmem:v3+s22+$0x20 ss:$0x1], $0xffff;
	s26 =	sadd.s32 s22, s24  }
0x143: {  	[tilespmem:s26+$0x0] =	vst.add.f32.msk $0xffff, v4  }
0x144: {  	s23 =	sadd.s32 $0x1, s23;
	[tilespmem:s26+$0x10] =	vst.add.f32.msk $0xffff, v5  }
0x145: {  	p1 =	sne.s32 s23, $0x10;
	[tilespmem:s26+$0x70] =	vst.add.f32.msk $0xffff, v6  }
.Ltmp7:
0x146: {  	[tilespmem:s26+$0x20] =	vst.add.f32.msk $0xffff, v7;
	(pc) =	sbr.rel @p1 .LBB2_11-.Ltmp7, $4  }
0x147: {  	[tilespmem:s26+$0x30] =	vst.add.f32.msk $0xffff, v8  }
0x148: {  	[tilespmem:s26+$0x40] =	vst.add.f32.msk $0xffff, v9  }
0x149: {  	[tilespmem:s26+$0x50] =	vst.add.f32.msk $0xffff, v10  }
0x14a: {  	s21 =	sadd.s32 $0x1, s21;
	[tilespmem:s26+$0x60] =	vst.add.f32.msk $0xffff, v3  }
0x14b: {  	s8 =	sadd.s32 s14, s8;
	s20 =	sadd.s32 @!p0 s5, s20  }
0x14c: {  	[hbm4b:s8+s6] =	stream.linear.scatter [tilespmem:s19], [sflag:$0xB], $0x3000, $0x38;
	[tilespmem:$0x18400] =	vst v63  }
0x14d: {  	s8 =	simm.s32 @!p0 $0xA;
	s20 =	sshrl.u32 @!p0 s20, $0x3  }
0x14e: {  	_ =	swait.ge @!p0 [sflag:s8], $0x3000;
	s20 =	smul.u32 @!p0 $0x300, s20  }
0x14f: {  	s21 =	simm.s32 @!p0 $0xF400;
	[sflag:s8] =	ssyncset.done @!p0 $0x0  }
0x150: {  	[sflag:s8] =	ssyncadd.s32 @!p0 $0xFFFFD000;
	s8 =	sadd.s32 @!p0 s1, s20;
	s20 =	simm.s32 @!p0 $0x0  }
0x151: {  	[tilespmem:s21], [sflag:$0x6] =	stream.linear.gather @!p0 [hbm4b:s8+s20], $0x3000, $0x38;
	[tilespmem:$0x18400] =	vst v63  }
0x152: {  	s8 =	sadd.s32 @!p0 $0x60, s15  }
0x153: {  	s15 =	sand.u32 @!p0 $0x3FFFFFF0, s8  }
0x154: {  	v3 =	vld @!p0 [tilespmem:s15+$0x0];
	_ =	sdelay $0x4  }
0x155: {  	v4 =	vshrl.u32 @!p0 v3, $0x3  }
0x156: {  	v4 =	vmul.u32 @!p0 $0x30, v4  }
0x157: {  	v5 =	vlaneseq.u32 @!p0;
	v3 =	vand.u32 @!p0 $0x7, v3  }
0x158: {  	v6 =	vshrl.u32 @!p0 v5, $0x3;
	v3 =	vor.u32 @!p0 v3, v4;
	v4 =	vand.u32 @!p0 $0x7, v5  }
0x159: {  	v6 =	vmul.u32 @!p0 $0x8, v6;
	v4 =	vperm.xlane @!p0 v3, v4;
	_ =	sdelay $0x1  }
0x15a: {  	v4 =	vadd.s32 @!p0 v6, v4;
	_ =	sdelay $0x2  }
0x15b: {  	v5 =	vor.u32 @!p0 $0x8, v5  }
0x15c: {  	s15 =	simm.s32 @!p0 $0x6400;
	v3 =	vperm.xlane @!p0 v3, v5  }
0x15d: {  	[tilespmem:s15], [sflag:$0x3] =	stream.indirect_vreg.gather @!p0 [hbm4b:s3+s20], $0x80, v4, vm1, $0xb8;
	[tilespmem:$0x18400] =	vst v63  }
0x15e: {  	v3 =	vadd.s32 @!p0 v6, v3;
	s15 =	simm.s32 @!p0 $0x6C00  }
0x15f: {  	[tilespmem:s15], [sflag:$0x3] =	stream.indirect_vreg.gather @!p0 [hbm4b:s9+s20], $0x80, v4, vm1, $0xb8;
	[tilespmem:$0x18400] =	vst v63  }
0x160: {  	s15 =	simm.s32 @!p0 $0x7400  }
0x161: {  	[tilespmem:s15], [sflag:$0x3] =	stream.indirect_vreg.gather @!p0 [hbm4b:s10+s20], $0x80, v4, vm1, $0xb8;
	[tilespmem:$0x18400] =	vst v63  }
0x162: {  	s15 =	simm.s32 @!p0 $0x7C00  }
0x163: {  	[tilespmem:s15], [sflag:$0x3] =	stream.indirect_vreg.gather @!p0 [hbm4b:s3+s20], $0x80, v3, vm1, $0xb8;
	[tilespmem:$0x18400] =	vst v63  }
0x164: {  	s15 =	simm.s32 @!p0 $0x8400  }
0x165: {  	[tilespmem:s15], [sflag:$0x3] =	stream.indirect_vreg.gather @!p0 [hbm4b:s9+s20], $0x80, v3, vm1, $0xb8;
	[tilespmem:$0x18400] =	vst v63  }
0x166: {  	s15 =	simm.s32 @!p0 $0x8C00  }
0x167: {  	[tilespmem:s15], [sflag:$0x3] =	stream.indirect_vreg.gather @!p0 [hbm4b:s10+s20], $0x80, v3, vm1, $0xb8;
	[tilespmem:$0x18400] =	vst v63  }
0x168: {  	_ =	swait.ge [sflag:s18], $0x3000  }
0x169: {  	[sflag:s18] =	ssyncset.done $0x0  }
0x16a: {  	[sflag:s18] =	ssyncadd.s32 $0xFFFFD000  }
0x16b: {  	_ =	swait.ge [sflag:s7], $0x3000  }
0x16c: {  	s8 =	simm.s32 @p0 $0x420;
	[sflag:s7] =	ssyncset.done $0x0  }
0x16d: {  	s15 =	simm.s32 $0x0;
	s20 =	simm.s32 $0x0;
	[sflag:s7] =	ssyncadd.s32 $0xFFFFD000  }
.LBB2_15:
0x16e: {  	s21 =	sshrl.u32 s20, $0x3  }
0x16f: {  	s22 =	sand.u32 $0x7, s15;
	s21 =	smul.u32 $0x6000, s21  }
0x170: {  	s22 =	sshll.u32 s22, $0x9  }
0x171: {  	s21 =	sor.u32 s22, s21  }
0x172: {  	s21 =	sshra.s32 s21, $0x2  }
0x173: {  	s26 =	sadd.s32 $0x9440, s21  }
0x174: {  	v3 =	vmov s26;
	_ =	sdelay $0x3  }
0x175: {  	s22 =	simm.s32 $0x0  }
0x176: {  	v4 =	vld.idx.msk [tilespmem:v3+s22+$0xFFFFFFC0 ss:$0x1], $0xffff  }
0x177: {  	s23 =	simm.s32 $0x1000;
	s21 =	sadd.s32 $0x15400, s21;
	v5 =	vld.idx.msk [tilespmem:v3+s22+$0xFFFFFFD0 ss:$0x1], $0xffff  }
.LBB2_16:
0x178: {  	p1 =	sne.s32 s23, $0x5000;
	v6 =	vld.idx.msk [tilespmem:v3+s22+$0x30 ss:$0x1], $0xffff  }
0x179: {  	v7 =	vld.idx.msk [tilespmem:v3+s22+$0xFFFFFFE0 ss:$0x1], $0xffff  }
0x17a: {  	v8 =	vld.idx.msk [tilespmem:v3+s22+$0xFFFFFFF0 ss:$0x1], $0xffff  }
0x17b: {  	v9 =	vld.idx.msk [tilespmem:v3+s22+$0x0 ss:$0x1], $0xffff  }
0x17c: {  	v10 =	vld.idx.msk [tilespmem:v3+s22+$0x10 ss:$0x1], $0xffff  }
0x17d: {  	s24 =	sadd.s32 s22, s21;
	v11 =	vld.idx.msk [tilespmem:v3+s22+$0x20 ss:$0x1], $0xffff  }
0x17e: {  	[tilespmem:s24+$0x70] =	vst.add.f32.msk $0xffff, v6  }
0x17f: {  	[tilespmem:s24+$0x0] =	vst.add.f32.msk $0xffff, v4  }
0x180: {  	[tilespmem:s24+$0x10] =	vst.add.f32.msk $0xffff, v5  }
0x181: {  	[tilespmem:s24+$0x20] =	vst.add.f32.msk $0xffff, v7  }
0x182: {  	[tilespmem:s24+$0x30] =	vst.add.f32.msk $0xffff, v8  }
.Ltmp8:
0x183: {  	[tilespmem:s24+$0x40] =	vst.add.f32.msk $0xffff, v9;
	(pc) =	sbr.rel @p1 .LBB2_16-.Ltmp8, $4  }
0x184: {  	[tilespmem:s24+$0x50] =	vst.add.f32.msk $0xffff, v10  }
0x185: {  	s22 =	sshra.s32 s23, $0x2;
	[tilespmem:s24+$0x60] =	vst.add.f32.msk $0xffff, v11  }
0x186: {  	v4 =	vld.idx.msk [tilespmem:v3+s22+$0xFFFFFFC0 ss:$0x1], $0xffff  }
0x187: {  	s23 =	sadd.s32 $0x1000, s23;
	v5 =	vld.idx.msk [tilespmem:v3+s22+$0xFFFFFFD0 ss:$0x1], $0xffff  }
0x188: {  	_ =	sdelay $0x3  }
0x189: {  	v6 =	vld.idx.msk [tilespmem:v3+s22+$0x30 ss:$0x1], $0xffff  }
0x18a: {  	v7 =	vld.idx.msk [tilespmem:v3+s22+$0xFFFFFFE0 ss:$0x1], $0xffff  }
0x18b: {  	v8 =	vld.idx.msk [tilespmem:v3+s22+$0xFFFFFFF0 ss:$0x1], $0xffff  }
0x18c: {  	v9 =	vld.idx.msk [tilespmem:v3+s22+$0x0 ss:$0x1], $0xffff  }
0x18d: {  	v10 =	vld.idx.msk [tilespmem:v3+s22+$0x10 ss:$0x1], $0xffff  }
0x18e: {  	v3 =	vld.idx.msk [tilespmem:v3+s22+$0x20 ss:$0x1], $0xffff;
	s21 =	sadd.s32 s22, s21  }
0x18f: {  	[tilespmem:s21+$0x0] =	vst.add.f32.msk $0xffff, v4  }
0x190: {  	s20 =	sadd.s32 $0x1, s20;
	[tilespmem:s21+$0x10] =	vst.add.f32.msk $0xffff, v5  }
0x191: {  	p1 =	sne.s32 s20, $0x10;
	[tilespmem:s21+$0x70] =	vst.add.f32.msk $0xffff, v6  }
.Ltmp9:
0x192: {  	[tilespmem:s21+$0x20] =	vst.add.f32.msk $0xffff, v7;
	(pc) =	sbr.rel @p1 .LBB2_15-.Ltmp9, $4  }
0x193: {  	[tilespmem:s21+$0x30] =	vst.add.f32.msk $0xffff, v8  }
0x194: {  	[tilespmem:s21+$0x40] =	vst.add.f32.msk $0xffff, v9  }
0x195: {  	[tilespmem:s21+$0x50] =	vst.add.f32.msk $0xffff, v10  }
0x196: {  	s15 =	sadd.s32 $0x1, s15;
	[tilespmem:s21+$0x60] =	vst.add.f32.msk $0xffff, v3  }
.Ltmp10:
0x197: {  	(pc) =	sbr.rel @p0 .LBB2_20-.Ltmp10, $3  }
0x198: {  	_ =	sdelay $0x1  }
0x199: {  	s13 =	sadd.s32 s4, s13  }
0x19a: {  	[hbm4b:s13+s6] =	stream.linear.scatter [tilespmem:s31], [sflag:$0xC], $0x3000, $0x38;
	[tilespmem:$0x18400] =	vst v63  }
0x19b: {  	s8 =	sadd.s32 s5, s8  }
.Ltmp11:
0x19c: {  	s8 =	sshrl.u32 s8, $0x3;
	(pc) =	sbr.rel .LBB2_2-.Ltmp11, $4  }
0x19d: {  	_ =	swait.ge [sflag:s12], $0x3000;
	s8 =	smul.u32 $0x300, s8  }
0x19e: {  	[sflag:s12] =	ssyncset.done $0x0  }
0x19f: {  	s11 =	sadd.s32 $0x1, s11;
	[sflag:s12] =	ssyncadd.s32 $0xFFFFD000;
	s8 =	sadd.s32 s1, s8  }
0x1a0: {  	[tilespmem:s19], [sflag:$0x7] =	stream.linear.gather [hbm4b:s8+s6], $0x3000, $0x38;
	[tilespmem:$0x18400] =	vst v63  }
.LBB2_21:
0x1a1: {  	_ =	sfence.sel $0x180000  }
0x1a2: {  	[bflag:$0x0] =	sbarrier.arrive $0xFFFF  }
0x1a3: {  	_ =	strace $0x90000047  }
0x1a4: {  	s0 =	stileid.u32;
	[bflag:$0x2] =	sbarrier.arrive $0xFFFF  }
0x1a5: {  	p0 =	sne.s32 s0, $0x0;
	s0 =	rddreg [dreg:$0x4]  }
0x1a6: {  	s0 =	sadd.s32 @!p0 $0x100000, s0  }
0x1a7: {  	[sflag:s0] =	ssyncadd.tile.s32 @!p0 $0x1;
	_ =	shalt  }
.Lfunc_end2:
_tile_overlayer_lowered:
.L_overlay_start_2:
0x1a8: {  	(tag) =	ssettag $0x2  }
0x1a9: {  	s0 =	rddreg [dreg:$0x0];
	s2 =	stileid.u32  }
0x1aa: {  	s1 =	rddreg [dreg:$0x1];
	p0 =	sne.s32 s2, $0x0  }
0x1ab: {  	s3 =	rddreg [dreg:$0x2];
	[bflag:$0x3] =	sbarrier.arrive $0xFFFF;
	s2 =	simm.s32 @!p0 $0x1C0D  }
0x1ac: {  	[timem:s3], [sflag:s2] =	dma.local @!p0 [hbm:s0], s1  }
0x1ad: {  	s0 =	simm.s32 @!p0 $0xD  }
0x1ae: {  	_ =	swait.ge @!p0 [sflag:s0], s1  }
0x1af: {  	s1 =	ssub.s32 @!p0 $0x0, s1;
	[sflag:s0] =	ssyncset.done @!p0 $0x0  }
0x1b0: {  	[sflag:s0] =	ssyncadd.s32 @!p0 s1  }
0x1b1: {  	[bflag:$0x3] =	sbarrier.arrive $0xFFFF  }
0x1b2: {  	_ =	shalt  }

</sc_bundles>
